<compile_context>
chip_gen: v7x
topology: tpu7x:2x2x1
jax: 0.10.2.dev20260603
libtpu: 0.0.44.dev20260713+nightly
codegen_flags: <defaults>
</compile_context>

<pallas_src>
import functools

import jax
import jax.numpy as jnp
from jax import lax
from jax.experimental import pallas as pl
from jax.experimental.pallas import tpu as pltpu
from jax.experimental.pallas import tpu_sc as plsc

B = 16384
F = 26
V = 100000
E = 16
H = 400
FE = F * E
EH = E // 2
FP = F * EH

NC = 2
NS = 16
NW = NC * NS
BF = B * F
BFH = BF // 2
PER_W = BFH // NW
GRP = 128
GRP_PER_W = PER_W // GRP
GRP_PER_CHUNK = 13
CHUNK = GRP * GRP_PER_CHUNK
NCHUNK = GRP_PER_W // GRP_PER_CHUNK


def _sc_gather(table, idx3):
    mesh = plsc.VectorSubcoreMesh(
        core_axis_name="c", subcore_axis_name="s", num_cores=NC, num_subcores=NS
    )

    @functools.partial(
        pl.kernel,
        mesh=mesh,
        compiler_params=pltpu.CompilerParams(use_tc_tiling_on_sc=False),
        out_type=jax.ShapeDtypeStruct((BFH, EH), jnp.int32),
        scratch_types=[
            pltpu.VMEM((GRP_PER_W, GRP), jnp.int32),
            pltpu.VMEM((CHUNK, EH), jnp.int32),
            pltpu.SemaphoreType.DMA,
        ],
    )
    def k(table_hbm, idx_hbm, out_hbm, idx_v, rows_v, sem):
        wid = lax.axis_index("s") * NC + lax.axis_index("c")
        base = wid * PER_W
        pltpu.sync_copy(idx_hbm.at[wid], idx_v)

        def chunk_body(c, carry):
            handles = []
            for j in range(GRP_PER_CHUNK):
                h = pltpu.async_copy(
                    table_hbm.at[idx_v.at[c * GRP_PER_CHUNK + j]],
                    rows_v.at[pl.ds(j * GRP, GRP)],
                    sem,
                )
                handles.append(h)
            for h in handles:
                h.wait()
            pltpu.sync_copy(rows_v, out_hbm.at[pl.ds(base + c * CHUNK, CHUNK)])
            return carry

        lax.fori_loop(0, NCHUNK, chunk_body, 0)

    return k(table, idx3)


FG = 2
GF = 13
GR = GF * E
GL = GF * EH
VC = 8192
NVC = -(-V // VC)


def _transpose_body(in_ref, out_ref):
    x = in_ref[...]
    u = lax.bitcast_convert_type(x, jnp.uint32)
    lsb = (u >> 16) & jnp.uint32(1)
    ub = ((u + jnp.uint32(0x7FFF) + lsb) >> 16).reshape(GF, 2, EH, VC)
    p = (ub[:, 0] | (ub[:, 1] << 16)).reshape(GL, VC)
    pz = jnp.concatenate(
        [p, jnp.zeros((128 - GL, VC), jnp.uint32)], axis=0)
    out_ref[...] = jnp.swapaxes(
        lax.bitcast_convert_type(pz, jnp.int32), 0, 1)[None]


def _tc_transpose(et):
    return pl.pallas_call(
        _transpose_body,
        grid=(FG, NVC),
        in_specs=[pl.BlockSpec((GR, VC), lambda g, c: (g, c))],
        out_specs=pl.BlockSpec((1, VC, 128), lambda g, c: (g, c, 0)),
        out_shape=jax.ShapeDtypeStruct((FG, V, 128), jnp.int32),
        compiler_params=pltpu.CompilerParams(
            dimension_semantics=("parallel", "parallel")),
    )(et)


BB = 1024


def _dense_body(xw_ref, pg_ref, pb_ref, w0a_lo_ref, w0a_hi_ref, w0b_ref,
                b0_ref, w1_ref, b1_ref, out_ref):
    w = lax.bitcast_convert_type(xw_ref[...], jnp.uint32)
    xlo = lax.bitcast_convert_type(w << 16, jnp.float32)
    xhi = lax.bitcast_convert_type(w & jnp.uint32(0xFFFF0000), jnp.float32)
    c_iota = lax.broadcasted_iota(jnp.int32, (FP, E), 0)
    e_iota = lax.broadcasted_iota(jnp.int32, (FP, E), 1)
    S_lo = (c_iota % EH == e_iota).astype(jnp.float32)
    S_hi = (c_iota % EH + EH == e_iota).astype(jnp.float32)
    z = (jnp.dot(xlo, S_lo, preferred_element_type=jnp.float32)
         + jnp.dot(xhi, S_hi, preferred_element_type=jnp.float32))
    i2 = lax.broadcasted_iota(jnp.int32, (E, E * E), 0)
    c2 = lax.broadcasted_iota(jnp.int32, (E, E * E), 1)
    A = (c2 // E == i2).astype(jnp.float32)
    Bm = (c2 % E == i2).astype(jnp.float32)
    rep = jnp.dot(z, A, preferred_element_type=jnp.float32)
    til = jnp.dot(z, Bm, preferred_element_type=jnp.float32)
    op = rep * til
    s1 = jnp.sum(z, axis=1, keepdims=True)
    s2 = jnp.sum(z * z, axis=1, keepdims=True)
    mean = s1 * s1 * (1.0 / (E * E))
    var = s2 * s2 * (1.0 / (E * E)) - mean * mean
    opn = (op - mean) * lax.rsqrt(var) * pg_ref[...] + pb_ref[...]
    h = (jnp.dot(xlo, w0a_lo_ref[...], preferred_element_type=jnp.float32)
         + jnp.dot(xhi, w0a_hi_ref[...], preferred_element_type=jnp.float32)
         + jnp.dot(opn, w0b_ref[...], preferred_element_type=jnp.float32)
         + b0_ref[...])
    h = jnp.maximum(h, 0.0)
    y = jnp.sum(h * w1_ref[...], axis=1, keepdims=True) + b1_ref[...]
    out_ref[...] = 1.0 / (1.0 + jnp.exp(-y))


BH = B // 2


def _dense(xw_flat, p_g, p_b, w0a_lo, w0a_hi, w0b, b0, w1, b1):
    grid = (BH // BB,)
    return pl.pallas_call(
        _dense_body,
        grid=grid,
        in_specs=[
            pl.BlockSpec((BB, FP), lambda i: (i, 0)),
            pl.BlockSpec((1, E * E), lambda i: (0, 0)),
            pl.BlockSpec((1, E * E), lambda i: (0, 0)),
            pl.BlockSpec((FP, H), lambda i: (0, 0)),
            pl.BlockSpec((FP, H), lambda i: (0, 0)),
            pl.BlockSpec((E * E, H), lambda i: (0, 0)),
            pl.BlockSpec((1, H), lambda i: (0, 0)),
            pl.BlockSpec((1, H), lambda i: (0, 0)),
            pl.BlockSpec((1, 1), lambda i: (0, 0)),
        ],
        out_specs=pl.BlockSpec((BB, 1), lambda i: (i, 0)),
        out_shape=jax.ShapeDtypeStruct((BH, 1), jnp.float32),
        compiler_params=pltpu.CompilerParams(
            dimension_semantics=("parallel",)),
    )(xw_flat, p_g, p_b, w0a_lo, w0a_hi, w0b, b0, w1, b1)


def kernel(indices, embed, p_g, p_b, w0, b0, w1, b1):
    f_ids = jnp.arange(F, dtype=jnp.int32)
    flat_idx = ((f_ids // GF) * (E * V))[None, :] \
        + indices.astype(jnp.int32) * E + (f_ids % GF)[None, :]
    idx_a = flat_idx[:BH].reshape(NW, GRP_PER_W, GRP)
    idx_b = flat_idx[BH:].reshape(NW, GRP_PER_W, GRP)
    table = _tc_transpose(
        embed.transpose(0, 2, 1).reshape(FE, V)).reshape(FG * V * E, EH)
    xwa = _sc_gather(table, idx_a).reshape(BH, FP)
    xwb = _sc_gather(table, idx_b).reshape(BH, FP)
    w0a = w0[:FE].reshape(F, E, H)
    dense_args = (
        p_g.reshape(1, E * E),
        p_b.reshape(1, E * E),
        w0a[:, :EH].reshape(FP, H),
        w0a[:, EH:].reshape(FP, H),
        w0[FE:],
        b0.reshape(1, H),
        w1.reshape(1, H),
        b1.reshape(1, 1),
    )
    out_a = _dense(xwa, *dense_args)
    out_b = _dense(xwb, *dense_args)
    return jnp.concatenate([out_a, out_b], axis=0).reshape(B)

# --- scband reference (transcript-rebuilt; emitter-appended) ---
"""Pipeline reference for scband-pnn2-12060268167850 (READ-ONLY COPY).

The authoritative reference and input builder live on the scoring server;
editing this copy changes nothing except your own understanding.
"""

import jax, jax.numpy as jnp
import numpy as np

B = 16384   # batch
F = 26      # num sparse fields (num_inputs)
V = 100000  # field size (vocab per field)
E = 16      # embed_size
H = 400     # hidden layer size
NODE_IN = F * E + E * E  # 672


def setup_inputs(seed: int = 0) -> dict:
    key = jax.random.key(seed)
    ks = jax.random.split(key, 6)
    # one-hot sparse input per field reduces to a single index per (sample, field)
    indices = jax.random.randint(ks[0], (B, F), 0, V)
    # stacked per-field embedding tables: embed_i = embed[i]
    embed = jax.random.normal(ks[1], (F, V, E), dtype=jnp.float32) * 0.05
    # layer-norm scale/bias for the product term
    p_g = jnp.ones((E * E,), dtype=jnp.float32)
    p_b = jnp.zeros((E * E,), dtype=jnp.float32)
    # MLP weights (xavier-ish)
    w0 = jax.random.normal(ks[2], (NODE_IN, H), dtype=jnp.float32) * (1.0 / np.sqrt(NODE_IN))
    b0 = jnp.zeros((H,), dtype=jnp.float32)
    w1 = jax.random.normal(ks[3], (H, 1), dtype=jnp.float32) * (1.0 / np.sqrt(H))
    b1 = jnp.zeros((1,), dtype=jnp.float32)
    return {"indices": indices, "embed": embed, "p_g": p_g, "p_b": p_b,
            "w0": w0, "b0": b0, "w1": w1, "b1": b1}


def reference(indices, embed, p_g, p_b, w0, b0, w1, b1):
    # per-field embedding lookup: xw[b, f, :] = embed[f, indices[b, f], :]
    f_ids = jnp.arange(F)[None, :]  # [1, F]
    xw = embed[f_ids, indices]      # [B, F, E] (gather)
    xw_flat = xw.reshape(-1, F * E)  # concat of per-field embeddings
    # z = sum over fields
    z = jnp.sum(xw, axis=1)          # [B, E]
    # outer product term op = z z^T flattened
    op = (z[:, :, None] * z[:, None, :]).reshape(-1, E * E)  # [B, E*E]
    # layer norm over feature axis (tf.nn.moments, no epsilon)
    p_mean = jnp.mean(op, axis=1, keepdims=True)
    p_var = jnp.var(op, axis=1, keepdims=True)
    op = (op - p_mean) / jnp.sqrt(p_var)
    op = op * p_g + p_b
    l = jnp.concatenate([xw_flat, op], axis=1)  # [B, NODE_IN]
    # layer 0: relu; dropout keep_prob=1 at inference (identity)
    l = jax.nn.relu(jnp.matmul(l, w0) + b0)
    # layer 1: linear
    l = jnp.matmul(l, w1) + b1
    l = jnp.squeeze(l)
    y_prob = jax.nn.sigmoid(l)
    return y_prob

if __name__ == "__main__":
    import jax
    _d = setup_inputs()
    print(jax.jit(kernel)(*tuple(_d.values())))

</pallas_src>

<mosaic_0001>
#map = affine_map<(d0, d1) -> (0, 0)>
#map1 = affine_map<(d0, d1) -> (0, 0, 0)>
module attributes {stable_mosaic.version = 14 : i64} {
  func.func @k(%arg0: i32, %arg1: i32, %arg2: memref<3200000x8xi32, #tpu.memory_space<hbm>>, %arg3: memref<32x52x128xi32, #tpu.memory_space<hbm>>, %arg4: memref<212992x8xi32, #tpu.memory_space<hbm>>, %arg5: memref<52x128xi32, #tpu.memory_space<vmem>>, %arg6: memref<1664x8xi32, #tpu.memory_space<vmem>>, %arg7: memref<!tpu.dma_semaphore, #tpu.memory_space<semaphore_mem>>) attributes {dimension_semantics = [#tpu.dimension_semantics<core_parallel>, #tpu.dimension_semantics<subcore_parallel>], iteration_bounds = array<i64: 2, 16>, scalar_prefetch = 0 : i64, scratch_operands = 3 : i64, tpu.core_type = #tpu.core_type<sc_vector_subcore>, window_params = [{transform_indices = #map}, {transform_indices = #map1}, {transform_indices = #map}]} {
    %mul3A = arith.constant 2 : i32
    %mul3A_0 = arith.muli %arg1, %mul3A : i32
    %add3A = arith.addi %mul3A_0, %arg0 : i32
    %mul3A_1 = arith.constant 6656 : i32
    %mul3A_2 = arith.muli %add3A, %mul3A_1 : i32
    "tpu.region"() ({
      %run_scoped3A = tpu.sem_alloc : memref<!tpu.dma_semaphore, #tpu.memory_space<semaphore_mem>>
      %dma_start3A = arith.constant 0 : i32
      %dma_start3A_8 = arith.constant 0 : i32
      %dma_start3A_9 = tpu.memref_slice %arg3[%add3A, %dma_start3A, %dma_start3A_8] : memref<32x52x128xi32, #tpu.memory_space<hbm>> -> memref<1x52x128xi32, #tpu.memory_space<hbm>>
      %dma_start3A_10 = tpu.memref_squeeze %dma_start3A_9 : memref<1x52x128xi32, #tpu.memory_space<hbm>> -> memref<52x128xi32, #tpu.memory_space<hbm>>
      %dma_start3A_11 = arith.constant 0 : i32
      %dma_start3A_12 = arith.constant 0 : i32
      %dma_start3A_13 = tpu.memref_slice %arg3[%add3A, %dma_start3A_11, %dma_start3A_12] : memref<32x52x128xi32, #tpu.memory_space<hbm>> -> memref<1x52x128xi32, #tpu.memory_space<hbm>>
      %dma_start3A_14 = tpu.memref_squeeze %dma_start3A_13 : memref<1x52x128xi32, #tpu.memory_space<hbm>> -> memref<52x128xi32, #tpu.memory_space<hbm>>
      tpu.enqueue_dma source(%dma_start3A_14 : memref<52x128xi32, #tpu.memory_space<hbm>>) target(%arg5 : memref<52x128xi32, #tpu.memory_space<vmem>>) target_semaphore(%run_scoped3A : memref<!tpu.dma_semaphore, #tpu.memory_space<semaphore_mem>>)
      %dma_wait3A = arith.constant 0 : i32
      %dma_wait3A_15 = arith.constant 0 : i32
      %dma_wait3A_16 = tpu.memref_slice %arg3[%add3A, %dma_wait3A, %dma_wait3A_15] : memref<32x52x128xi32, #tpu.memory_space<hbm>> -> memref<1x52x128xi32, #tpu.memory_space<hbm>>
      %dma_wait3A_17 = tpu.memref_squeeze %dma_wait3A_16 : memref<1x52x128xi32, #tpu.memory_space<hbm>> -> memref<52x128xi32, #tpu.memory_space<hbm>>
      %dma_wait3A_18 = arith.constant 0 : i32
      %dma_wait3A_19 = arith.constant 0 : i32
      %dma_wait3A_20 = tpu.memref_slice %arg3[%add3A, %dma_wait3A_18, %dma_wait3A_19] : memref<32x52x128xi32, #tpu.memory_space<hbm>> -> memref<1x52x128xi32, #tpu.memory_space<hbm>>
      %dma_wait3A_21 = tpu.memref_squeeze %dma_wait3A_20 : memref<1x52x128xi32, #tpu.memory_space<hbm>> -> memref<52x128xi32, #tpu.memory_space<hbm>>
      tpu.wait_dma2 semaphore(%run_scoped3A : memref<!tpu.dma_semaphore, #tpu.memory_space<semaphore_mem>>) src(%dma_wait3A_21 : memref<52x128xi32, #tpu.memory_space<hbm>>) dst(%arg5 : memref<52x128xi32, #tpu.memory_space<vmem>>)
      tpu.yield
    }) : () -> ()
    %scan3A = arith.constant 0 : i32
    %scan3A_3 = arith.constant 0 : i32
    %scan3A_4 = arith.constant 4 : i32
    %scan3A_5 = arith.addi %scan3A_3, %scan3A_4 : i32
    %scan3A_6 = arith.constant 1 : i32
    scf.for %scan3A_8 = %scan3A_3 to %scan3A_5 step %scan3A_6  : i32 {
      %mul3A_9 = arith.constant 13 : i32
      %mul3A_10 = arith.muli %scan3A_8, %mul3A_9 : i32
      %add3A_11 = arith.constant 0 : i32
      %add3A_12 = arith.addi %mul3A_10, %add3A_11 : i32
      %dma_start3A = arith.constant 0 : i32
      %dma_start3A_13 = arith.constant 0 : i32
      %dma_start3A_14 = tpu.memref_slice %arg6[%dma_start3A, %dma_start3A_13] : memref<1664x8xi32, #tpu.memory_space<vmem>> -> memref<128x8xi32, #tpu.memory_space<vmem>>
      %dma_start3A_15 = arith.constant 0 : i32
      %dma_start3A_16 = tpu.memref_slice %arg5[%add3A_12, %dma_start3A_15] : memref<52x128xi32, #tpu.memory_space<vmem>> -> memref<1x128xi32, #tpu.memory_space<vmem>>
      %dma_start3A_17 = tpu.memref_squeeze %dma_start3A_16 : memref<1x128xi32, #tpu.memory_space<vmem>> -> memref<128xi32, #tpu.memory_space<vmem>>
      %dma_start3A_18 = arith.constant 0 : i32
      %dma_start3A_19 = arith.constant 0 : i32
      %dma_start3A_20 = tpu.memref_slice %arg2[%dma_start3A_18, %dma_start3A_19] : memref<3200000x8xi32, #tpu.memory_space<hbm>> -> memref<3200000x8xi32, #tpu.memory_space<hbm>>
      tpu.enqueue_indirect_dma source(%dma_start3A_20 : memref<3200000x8xi32, #tpu.memory_space<hbm>>) target(%dma_start3A_14 : memref<128x8xi32, #tpu.memory_space<vmem>>) offsets(%dma_start3A_17 : memref<128xi32, #tpu.memory_space<vmem>>) semaphore(%arg7 : memref<!tpu.dma_semaphore, #tpu.memory_space<semaphore_mem>>)
      %mul3A_21 = arith.constant 13 : i32
      %mul3A_22 = arith.muli %scan3A_8, %mul3A_21 : i32
      %add3A_23 = arith.constant 1 : i32
      %add3A_24 = arith.addi %mul3A_22, %add3A_23 : i32
      %dma_start3A_25 = arith.constant 128 : i32
      %dma_start3A_26 = arith.constant 0 : i32
      %dma_start3A_27 = tpu.memref_slice %arg6[%dma_start3A_25, %dma_start3A_26] : memref<1664x8xi32, #tpu.memory_space<vmem>> -> memref<128x8xi32, #tpu.memory_space<vmem>>
      %dma_start3A_28 = arith.constant 0 : i32
      %dma_start3A_29 = tpu.memref_slice %arg5[%add3A_24, %dma_start3A_28] : memref<52x128xi32, #tpu.memory_space<vmem>> -> memref<1x128xi32, #tpu.memory_space<vmem>>
      %dma_start3A_30 = tpu.memref_squeeze %dma_start3A_29 : memref<1x128xi32, #tpu.memory_space<vmem>> -> memref<128xi32, #tpu.memory_space<vmem>>
      %dma_start3A_31 = arith.constant 0 : i32
      %dma_start3A_32 = arith.constant 0 : i32
      %dma_start3A_33 = tpu.memref_slice %arg2[%dma_start3A_31, %dma_start3A_32] : memref<3200000x8xi32, #tpu.memory_space<hbm>> -> memref<3200000x8xi32, #tpu.memory_space<hbm>>
      tpu.enqueue_indirect_dma source(%dma_start3A_33 : memref<3200000x8xi32, #tpu.memory_space<hbm>>) target(%dma_start3A_27 : memref<128x8xi32, #tpu.memory_space<vmem>>) offsets(%dma_start3A_30 : memref<128xi32, #tpu.memory_space<vmem>>) semaphore(%arg7 : memref<!tpu.dma_semaphore, #tpu.memory_space<semaphore_mem>>)
      %mul3A_34 = arith.constant 13 : i32
      %mul3A_35 = arith.muli %scan3A_8, %mul3A_34 : i32
      %add3A_36 = arith.constant 2 : i32
      %add3A_37 = arith.addi %mul3A_35, %add3A_36 : i32
      %dma_start3A_38 = arith.constant 256 : i32
      %dma_start3A_39 = arith.constant 0 : i32
      %dma_start3A_40 = tpu.memref_slice %arg6[%dma_start3A_38, %dma_start3A_39] : memref<1664x8xi32, #tpu.memory_space<vmem>> -> memref<128x8xi32, #tpu.memory_space<vmem>>
      %dma_start3A_41 = arith.constant 0 : i32
      %dma_start3A_42 = tpu.memref_slice %arg5[%add3A_37, %dma_start3A_41] : memref<52x128xi32, #tpu.memory_space<vmem>> -> memref<1x128xi32, #tpu.memory_space<vmem>>
      %dma_start3A_43 = tpu.memref_squeeze %dma_start3A_42 : memref<1x128xi32, #tpu.memory_space<vmem>> -> memref<128xi32, #tpu.memory_space<vmem>>
      %dma_start3A_44 = arith.constant 0 : i32
      %dma_start3A_45 = arith.constant 0 : i32
      %dma_start3A_46 = tpu.memref_slice %arg2[%dma_start3A_44, %dma_start3A_45] : memref<3200000x8xi32, #tpu.memory_space<hbm>> -> memref<3200000x8xi32, #tpu.memory_space<hbm>>
      tpu.enqueue_indirect_dma source(%dma_start3A_46 : memref<3200000x8xi32, #tpu.memory_space<hbm>>) target(%dma_start3A_40 : memref<128x8xi32, #tpu.memory_space<vmem>>) offsets(%dma_start3A_43 : memref<128xi32, #tpu.memory_space<vmem>>) semaphore(%arg7 : memref<!tpu.dma_semaphore, #tpu.memory_space<semaphore_mem>>)
      %mul3A_47 = arith.constant 13 : i32
      %mul3A_48 = arith.muli %scan3A_8, %mul3A_47 : i32
      %add3A_49 = arith.constant 3 : i32
      %add3A_50 = arith.addi %mul3A_48, %add3A_49 : i32
      %dma_start3A_51 = arith.constant 384 : i32
      %dma_start3A_52 = arith.constant 0 : i32
      %dma_start3A_53 = tpu.memref_slice %arg6[%dma_start3A_51, %dma_start3A_52] : memref<1664x8xi32, #tpu.memory_space<vmem>> -> memref<128x8xi32, #tpu.memory_space<vmem>>
      %dma_start3A_54 = arith.constant 0 : i32
      %dma_start3A_55 = tpu.memref_slice %arg5[%add3A_50, %dma_start3A_54] : memref<52x128xi32, #tpu.memory_space<vmem>> -> memref<1x128xi32, #tpu.memory_space<vmem>>
      %dma_start3A_56 = tpu.memref_squeeze %dma_start3A_55 : memref<1x128xi32, #tpu.memory_space<vmem>> -> memref<128xi32, #tpu.memory_space<vmem>>
      %dma_start3A_57 = arith.constant 0 : i32
      %dma_start3A_58 = arith.constant 0 : i32
      %dma_start3A_59 = tpu.memref_slice %arg2[%dma_start3A_57, %dma_start3A_58] : memref<3200000x8xi32, #tpu.memory_space<hbm>> -> memref<3200000x8xi32, #tpu.memory_space<hbm>>
      tpu.enqueue_indirect_dma source(%dma_start3A_59 : memref<3200000x8xi32, #tpu.memory_space<hbm>>) target(%dma_start3A_53 : memref<128x8xi32, #tpu.memory_space<vmem>>) offsets(%dma_start3A_56 : memref<128xi32, #tpu.memory_space<vmem>>) semaphore(%arg7 : memref<!tpu.dma_semaphore, #tpu.memory_space<semaphore_mem>>)
      %mul3A_60 = arith.constant 13 : i32
      %mul3A_61 = arith.muli %scan3A_8, %mul3A_60 : i32
      %add3A_62 = arith.constant 4 : i32
      %add3A_63 = arith.addi %mul3A_61, %add3A_62 : i32
      %dma_start3A_64 = arith.constant 512 : i32
      %dma_start3A_65 = arith.constant 0 : i32
      %dma_start3A_66 = tpu.memref_slice %arg6[%dma_start3A_64, %dma_start3A_65] : memref<1664x8xi32, #tpu.memory_space<vmem>> -> memref<128x8xi32, #tpu.memory_space<vmem>>
      %dma_start3A_67 = arith.constant 0 : i32
      %dma_start3A_68 = tpu.memref_slice %arg5[%add3A_63, %dma_start3A_67] : memref<52x128xi32, #tpu.memory_space<vmem>> -> memref<1x128xi32, #tpu.memory_space<vmem>>
      %dma_start3A_69 = tpu.memref_squeeze %dma_start3A_68 : memref<1x128xi32, #tpu.memory_space<vmem>> -> memref<128xi32, #tpu.memory_space<vmem>>
      %dma_start3A_70 = arith.constant 0 : i32
      %dma_start3A_71 = arith.constant 0 : i32
      %dma_start3A_72 = tpu.memref_slice %arg2[%dma_start3A_70, %dma_start3A_71] : memref<3200000x8xi32, #tpu.memory_space<hbm>> -> memref<3200000x8xi32, #tpu.memory_space<hbm>>
      tpu.enqueue_indirect_dma source(%dma_start3A_72 : memref<3200000x8xi32, #tpu.memory_space<hbm>>) target(%dma_start3A_66 : memref<128x8xi32, #tpu.memory_space<vmem>>) offsets(%dma_start3A_69 : memref<128xi32, #tpu.memory_space<vmem>>) semaphore(%arg7 : memref<!tpu.dma_semaphore, #tpu.memory_space<semaphore_mem>>)
      %mul3A_73 = arith.constant 13 : i32
      %mul3A_74 = arith.muli %scan3A_8, %mul3A_73 : i32
      %add3A_75 = arith.constant 5 : i32
      %add3A_76 = arith.addi %mul3A_74, %add3A_75 : i32
      %dma_start3A_77 = arith.constant 640 : i32
      %dma_start3A_78 = arith.constant 0 : i32
      %dma_start3A_79 = tpu.memref_slice %arg6[%dma_start3A_77, %dma_start3A_78] : memref<1664x8xi32, #tpu.memory_space<vmem>> -> memref<128x8xi32, #tpu.memory_space<vmem>>
      %dma_start3A_80 = arith.constant 0 : i32
      %dma_start3A_81 = tpu.memref_slice %arg5[%add3A_76, %dma_start3A_80] : memref<52x128xi32, #tpu.memory_space<vmem>> -> memref<1x128xi32, #tpu.memory_space<vmem>>
      %dma_start3A_82 = tpu.memref_squeeze %dma_start3A_81 : memref<1x128xi32, #tpu.memory_space<vmem>> -> memref<128xi32, #tpu.memory_space<vmem>>
      %dma_start3A_83 = arith.constant 0 : i32
      %dma_start3A_84 = arith.constant 0 : i32
      %dma_start3A_85 = tpu.memref_slice %arg2[%dma_start3A_83, %dma_start3A_84] : memref<3200000x8xi32, #tpu.memory_space<hbm>> -> memref<3200000x8xi32, #tpu.memory_space<hbm>>
      tpu.enqueue_indirect_dma source(%dma_start3A_85 : memref<3200000x8xi32, #tpu.memory_space<hbm>>) target(%dma_start3A_79 : memref<128x8xi32, #tpu.memory_space<vmem>>) offsets(%dma_start3A_82 : memref<128xi32, #tpu.memory_space<vmem>>) semaphore(%arg7 : memref<!tpu.dma_semaphore, #tpu.memory_space<semaphore_mem>>)
      %mul3A_86 = arith.constant 13 : i32
      %mul3A_87 = arith.muli %scan3A_8, %mul3A_86 : i32
      %add3A_88 = arith.constant 6 : i32
      %add3A_89 = arith.addi %mul3A_87, %add3A_88 : i32
      %dma_start3A_90 = arith.constant 768 : i32
      %dma_start3A_91 = arith.constant 0 : i32
      %dma_start3A_92 = tpu.memref_slice %arg6[%dma_start3A_90, %dma_start3A_91] : memref<1664x8xi32, #tpu.memory_space<vmem>> -> memref<128x8xi32, #tpu.memory_space<vmem>>
      %dma_start3A_93 = arith.constant 0 : i32
      %dma_start3A_94 = tpu.memref_slice %arg5[%add3A_89, %dma_start3A_93] : memref<52x128xi32, #tpu.memory_space<vmem>> -> memref<1x128xi32, #tpu.memory_space<vmem>>
      %dma_start3A_95 = tpu.memref_squeeze %dma_start3A_94 : memref<1x128xi32, #tpu.memory_space<vmem>> -> memref<128xi32, #tpu.memory_space<vmem>>
      %dma_start3A_96 = arith.constant 0 : i32
      %dma_start3A_97 = arith.constant 0 : i32
      %dma_start3A_98 = tpu.memref_slice %arg2[%dma_start3A_96, %dma_start3A_97] : memref<3200000x8xi32, #tpu.memory_space<hbm>> -> memref<3200000x8xi32, #tpu.memory_space<hbm>>
      tpu.enqueue_indirect_dma source(%dma_start3A_98 : memref<3200000x8xi32, #tpu.memory_space<hbm>>) target(%dma_start3A_92 : memref<128x8xi32, #tpu.memory_space<vmem>>) offsets(%dma_start3A_95 : memref<128xi32, #tpu.memory_space<vmem>>) semaphore(%arg7 : memref<!tpu.dma_semaphore, #tpu.memory_space<semaphore_mem>>)
      %mul3A_99 = arith.constant 13 : i32
      %mul3A_100 = arith.muli %scan3A_8, %mul3A_99 : i32
      %add3A_101 = arith.constant 7 : i32
      %add3A_102 = arith.addi %mul3A_100, %add3A_101 : i32
      %dma_start3A_103 = arith.constant 896 : i32
      %dma_start3A_104 = arith.constant 0 : i32
      %dma_start3A_105 = tpu.memref_slice %arg6[%dma_start3A_103, %dma_start3A_104] : memref<1664x8xi32, #tpu.memory_space<vmem>> -> memref<128x8xi32, #tpu.memory_space<vmem>>
      %dma_start3A_106 = arith.constant 0 : i32
      %dma_start3A_107 = tpu.memref_slice %arg5[%add3A_102, %dma_start3A_106] : memref<52x128xi32, #tpu.memory_space<vmem>> -> memref<1x128xi32, #tpu.memory_space<vmem>>
      %dma_start3A_108 = tpu.memref_squeeze %dma_start3A_107 : memref<1x128xi32, #tpu.memory_space<vmem>> -> memref<128xi32, #tpu.memory_space<vmem>>
      %dma_start3A_109 = arith.constant 0 : i32
      %dma_start3A_110 = arith.constant 0 : i32
      %dma_start3A_111 = tpu.memref_slice %arg2[%dma_start3A_109, %dma_start3A_110] : memref<3200000x8xi32, #tpu.memory_space<hbm>> -> memref<3200000x8xi32, #tpu.memory_space<hbm>>
      tpu.enqueue_indirect_dma source(%dma_start3A_111 : memref<3200000x8xi32, #tpu.memory_space<hbm>>) target(%dma_start3A_105 : memref<128x8xi32, #tpu.memory_space<vmem>>) offsets(%dma_start3A_108 : memref<128xi32, #tpu.memory_space<vmem>>) semaphore(%arg7 : memref<!tpu.dma_semaphore, #tpu.memory_space<semaphore_mem>>)
      %mul3A_112 = arith.constant 13 : i32
      %mul3A_113 = arith.muli %scan3A_8, %mul3A_112 : i32
      %add3A_114 = arith.constant 8 : i32
      %add3A_115 = arith.addi %mul3A_113, %add3A_114 : i32
      %dma_start3A_116 = arith.constant 1024 : i32
      %dma_start3A_117 = arith.constant 0 : i32
      %dma_start3A_118 = tpu.memref_slice %arg6[%dma_start3A_116, %dma_start3A_117] : memref<1664x8xi32, #tpu.memory_space<vmem>> -> memref<128x8xi32, #tpu.memory_space<vmem>>
      %dma_start3A_119 = arith.constant 0 : i32
      %dma_start3A_120 = tpu.memref_slice %arg5[%add3A_115, %dma_start3A_119] : memref<52x128xi32, #tpu.memory_space<vmem>> -> memref<1x128xi32, #tpu.memory_space<vmem>>
      %dma_start3A_121 = tpu.memref_squeeze %dma_start3A_120 : memref<1x128xi32, #tpu.memory_space<vmem>> -> memref<128xi32, #tpu.memory_space<vmem>>
      %dma_start3A_122 = arith.constant 0 : i32
      %dma_start3A_123 = arith.constant 0 : i32
      %dma_start3A_124 = tpu.memref_slice %arg2[%dma_start3A_122, %dma_start3A_123] : memref<3200000x8xi32, #tpu.memory_space<hbm>> -> memref<3200000x8xi32, #tpu.memory_space<hbm>>
      tpu.enqueue_indirect_dma source(%dma_start3A_124 : memref<3200000x8xi32, #tpu.memory_space<hbm>>) target(%dma_start3A_118 : memref<128x8xi32, #tpu.memory_space<vmem>>) offsets(%dma_start3A_121 : memref<128xi32, #tpu.memory_space<vmem>>) semaphore(%arg7 : memref<!tpu.dma_semaphore, #tpu.memory_space<semaphore_mem>>)
      %mul3A_125 = arith.constant 13 : i32
      %mul3A_126 = arith.muli %scan3A_8, %mul3A_125 : i32
      %add3A_127 = arith.constant 9 : i32
      %add3A_128 = arith.addi %mul3A_126, %add3A_127 : i32
      %dma_start3A_129 = arith.constant 1152 : i32
      %dma_start3A_130 = arith.constant 0 : i32
      %dma_start3A_131 = tpu.memref_slice %arg6[%dma_start3A_129, %dma_start3A_130] : memref<1664x8xi32, #tpu.memory_space<vmem>> -> memref<128x8xi32, #tpu.memory_space<vmem>>
      %dma_start3A_132 = arith.constant 0 : i32
      %dma_start3A_133 = tpu.memref_slice %arg5[%add3A_128, %dma_start3A_132] : memref<52x128xi32, #tpu.memory_space<vmem>> -> memref<1x128xi32, #tpu.memory_space<vmem>>
      %dma_start3A_134 = tpu.memref_squeeze %dma_start3A_133 : memref<1x128xi32, #tpu.memory_space<vmem>> -> memref<128xi32, #tpu.memory_space<vmem>>
      %dma_start3A_135 = arith.constant 0 : i32
      %dma_start3A_136 = arith.constant 0 : i32
      %dma_start3A_137 = tpu.memref_slice %arg2[%dma_start3A_135, %dma_start3A_136] : memref<3200000x8xi32, #tpu.memory_space<hbm>> -> memref<3200000x8xi32, #tpu.memory_space<hbm>>
      tpu.enqueue_indirect_dma source(%dma_start3A_137 : memref<3200000x8xi32, #tpu.memory_space<hbm>>) target(%dma_start3A_131 : memref<128x8xi32, #tpu.memory_space<vmem>>) offsets(%dma_start3A_134 : memref<128xi32, #tpu.memory_space<vmem>>) semaphore(%arg7 : memref<!tpu.dma_semaphore, #tpu.memory_space<semaphore_mem>>)
      %mul3A_138 = arith.constant 13 : i32
      %mul3A_139 = arith.muli %scan3A_8, %mul3A_138 : i32
      %add3A_140 = arith.constant 10 : i32
      %add3A_141 = arith.addi %mul3A_139, %add3A_140 : i32
      %dma_start3A_142 = arith.constant 1280 : i32
      %dma_start3A_143 = arith.constant 0 : i32
      %dma_start3A_144 = tpu.memref_slice %arg6[%dma_start3A_142, %dma_start3A_143] : memref<1664x8xi32, #tpu.memory_space<vmem>> -> memref<128x8xi32, #tpu.memory_space<vmem>>
      %dma_start3A_145 = arith.constant 0 : i32
      %dma_start3A_146 = tpu.memref_slice %arg5[%add3A_141, %dma_start3A_145] : memref<52x128xi32, #tpu.memory_space<vmem>> -> memref<1x128xi32, #tpu.memory_space<vmem>>
      %dma_start3A_147 = tpu.memref_squeeze %dma_start3A_146 : memref<1x128xi32, #tpu.memory_space<vmem>> -> memref<128xi32, #tpu.memory_space<vmem>>
      %dma_start3A_148 = arith.constant 0 : i32
      %dma_start3A_149 = arith.constant 0 : i32
      %dma_start3A_150 = tpu.memref_slice %arg2[%dma_start3A_148, %dma_start3A_149] : memref<3200000x8xi32, #tpu.memory_space<hbm>> -> memref<3200000x8xi32, #tpu.memory_space<hbm>>
      tpu.enqueue_indirect_dma source(%dma_start3A_150 : memref<3200000x8xi32, #tpu.memory_space<hbm>>) target(%dma_start3A_144 : memref<128x8xi32, #tpu.memory_space<vmem>>) offsets(%dma_start3A_147 : memref<128xi32, #tpu.memory_space<vmem>>) semaphore(%arg7 : memref<!tpu.dma_semaphore, #tpu.memory_space<semaphore_mem>>)
      %mul3A_151 = arith.constant 13 : i32
      %mul3A_152 = arith.muli %scan3A_8, %mul3A_151 : i32
      %add3A_153 = arith.constant 11 : i32
      %add3A_154 = arith.addi %mul3A_152, %add3A_153 : i32
      %dma_start3A_155 = arith.constant 1408 : i32
      %dma_start3A_156 = arith.constant 0 : i32
      %dma_start3A_157 = tpu.memref_slice %arg6[%dma_start3A_155, %dma_start3A_156] : memref<1664x8xi32, #tpu.memory_space<vmem>> -> memref<128x8xi32, #tpu.memory_space<vmem>>
      %dma_start3A_158 = arith.constant 0 : i32
      %dma_start3A_159 = tpu.memref_slice %arg5[%add3A_154, %dma_start3A_158] : memref<52x128xi32, #tpu.memory_space<vmem>> -> memref<1x128xi32, #tpu.memory_space<vmem>>
      %dma_start3A_160 = tpu.memref_squeeze %dma_start3A_159 : memref<1x128xi32, #tpu.memory_space<vmem>> -> memref<128xi32, #tpu.memory_space<vmem>>
      %dma_start3A_161 = arith.constant 0 : i32
      %dma_start3A_162 = arith.constant 0 : i32
      %dma_start3A_163 = tpu.memref_slice %arg2[%dma_start3A_161, %dma_start3A_162] : memref<3200000x8xi32, #tpu.memory_space<hbm>> -> memref<3200000x8xi32, #tpu.memory_space<hbm>>
      tpu.enqueue_indirect_dma source(%dma_start3A_163 : memref<3200000x8xi32, #tpu.memory_space<hbm>>) target(%dma_start3A_157 : memref<128x8xi32, #tpu.memory_space<vmem>>) offsets(%dma_start3A_160 : memref<128xi32, #tpu.memory_space<vmem>>) semaphore(%arg7 : memref<!tpu.dma_semaphore, #tpu.memory_space<semaphore_mem>>)
      %mul3A_164 = arith.constant 13 : i32
      %mul3A_165 = arith.muli %scan3A_8, %mul3A_164 : i32
      %add3A_166 = arith.constant 12 : i32
      %add3A_167 = arith.addi %mul3A_165, %add3A_166 : i32
      %dma_start3A_168 = arith.constant 1536 : i32
      %dma_start3A_169 = arith.constant 0 : i32
      %dma_start3A_170 = tpu.memref_slice %arg6[%dma_start3A_168, %dma_start3A_169] : memref<1664x8xi32, #tpu.memory_space<vmem>> -> memref<128x8xi32, #tpu.memory_space<vmem>>
      %dma_start3A_171 = arith.constant 0 : i32
      %dma_start3A_172 = tpu.memref_slice %arg5[%add3A_167, %dma_start3A_171] : memref<52x128xi32, #tpu.memory_space<vmem>> -> memref<1x128xi32, #tpu.memory_space<vmem>>
      %dma_start3A_173 = tpu.memref_squeeze %dma_start3A_172 : memref<1x128xi32, #tpu.memory_space<vmem>> -> memref<128xi32, #tpu.memory_space<vmem>>
      %dma_start3A_174 = arith.constant 0 : i32
      %dma_start3A_175 = arith.constant 0 : i32
      %dma_start3A_176 = tpu.memref_slice %arg2[%dma_start3A_174, %dma_start3A_175] : memref<3200000x8xi32, #tpu.memory_space<hbm>> -> memref<3200000x8xi32, #tpu.memory_space<hbm>>
      tpu.enqueue_indirect_dma source(%dma_start3A_176 : memref<3200000x8xi32, #tpu.memory_space<hbm>>) target(%dma_start3A_170 : memref<128x8xi32, #tpu.memory_space<vmem>>) offsets(%dma_start3A_173 : memref<128xi32, #tpu.memory_space<vmem>>) semaphore(%arg7 : memref<!tpu.dma_semaphore, #tpu.memory_space<semaphore_mem>>)
      %dma_wait3A = arith.constant 0 : i32
      %dma_wait3A_177 = arith.constant 0 : i32
      %dma_wait3A_178 = tpu.memref_slice %arg6[%dma_wait3A, %dma_wait3A_177] : memref<1664x8xi32, #tpu.memory_space<vmem>> -> memref<128x8xi32, #tpu.memory_space<vmem>>
      %dma_wait3A_179 = arith.constant 0 : i32
      %dma_wait3A_180 = tpu.memref_slice %arg5[%add3A_12, %dma_wait3A_179] : memref<52x128xi32, #tpu.memory_space<vmem>> -> memref<1x128xi32, #tpu.memory_space<vmem>>
      %dma_wait3A_181 = tpu.memref_squeeze %dma_wait3A_180 : memref<1x128xi32, #tpu.memory_space<vmem>> -> memref<128xi32, #tpu.memory_space<vmem>>
      %dma_wait3A_182 = arith.constant 0 : i32
      %dma_wait3A_183 = arith.constant 0 : i32
      %dma_wait3A_184 = tpu.memref_slice %arg2[%dma_wait3A_182, %dma_wait3A_183] : memref<3200000x8xi32, #tpu.memory_space<hbm>> -> memref<3200000x8xi32, #tpu.memory_space<hbm>>
      tpu.wait_indirect_dma semaphore(%arg7 : memref<!tpu.dma_semaphore, #tpu.memory_space<semaphore_mem>>) src(%dma_wait3A_184 : memref<3200000x8xi32, #tpu.memory_space<hbm>>) dst(%dma_wait3A_178 : memref<128x8xi32, #tpu.memory_space<vmem>>)
      %dma_wait3A_185 = arith.constant 128 : i32
      %dma_wait3A_186 = arith.constant 0 : i32
      %dma_wait3A_187 = tpu.memref_slice %arg6[%dma_wait3A_185, %dma_wait3A_186] : memref<1664x8xi32, #tpu.memory_space<vmem>> -> memref<128x8xi32, #tpu.memory_space<vmem>>
      %dma_wait3A_188 = arith.constant 0 : i32
      %dma_wait3A_189 = tpu.memref_slice %arg5[%add3A_24, %dma_wait3A_188] : memref<52x128xi32, #tpu.memory_space<vmem>> -> memref<1x128xi32, #tpu.memory_space<vmem>>
      %dma_wait3A_190 = tpu.memref_squeeze %dma_wait3A_189 : memref<1x128xi32, #tpu.memory_space<vmem>> -> memref<128xi32, #tpu.memory_space<vmem>>
      %dma_wait3A_191 = arith.constant 0 : i32
      %dma_wait3A_192 = arith.constant 0 : i32
      %dma_wait3A_193 = tpu.memref_slice %arg2[%dma_wait3A_191, %dma_wait3A_192] : memref<3200000x8xi32, #tpu.memory_space<hbm>> -> memref<3200000x8xi32, #tpu.memory_space<hbm>>
      tpu.wait_indirect_dma semaphore(%arg7 : memref<!tpu.dma_semaphore, #tpu.memory_space<semaphore_mem>>) src(%dma_wait3A_193 : memref<3200000x8xi32, #tpu.memory_space<hbm>>) dst(%dma_wait3A_187 : memref<128x8xi32, #tpu.memory_space<vmem>>)
      %dma_wait3A_194 = arith.constant 256 : i32
      %dma_wait3A_195 = arith.constant 0 : i32
      %dma_wait3A_196 = tpu.memref_slice %arg6[%dma_wait3A_194, %dma_wait3A_195] : memref<1664x8xi32, #tpu.memory_space<vmem>> -> memref<128x8xi32, #tpu.memory_space<vmem>>
      %dma_wait3A_197 = arith.constant 0 : i32
      %dma_wait3A_198 = tpu.memref_slice %arg5[%add3A_37, %dma_wait3A_197] : memref<52x128xi32, #tpu.memory_space<vmem>> -> memref<1x128xi32, #tpu.memory_space<vmem>>
      %dma_wait3A_199 = tpu.memref_squeeze %dma_wait3A_198 : memref<1x128xi32, #tpu.memory_space<vmem>> -> memref<128xi32, #tpu.memory_space<vmem>>
      %dma_wait3A_200 = arith.constant 0 : i32
      %dma_wait3A_201 = arith.constant 0 : i32
      %dma_wait3A_202 = tpu.memref_slice %arg2[%dma_wait3A_200, %dma_wait3A_201] : memref<3200000x8xi32, #tpu.memory_space<hbm>> -> memref<3200000x8xi32, #tpu.memory_space<hbm>>
      tpu.wait_indirect_dma semaphore(%arg7 : memref<!tpu.dma_semaphore, #tpu.memory_space<semaphore_mem>>) src(%dma_wait3A_202 : memref<3200000x8xi32, #tpu.memory_space<hbm>>) dst(%dma_wait3A_196 : memref<128x8xi32, #tpu.memory_space<vmem>>)
      %dma_wait3A_203 = arith.constant 384 : i32
      %dma_wait3A_204 = arith.constant 0 : i32
      %dma_wait3A_205 = tpu.memref_slice %arg6[%dma_wait3A_203, %dma_wait3A_204] : memref<1664x8xi32, #tpu.memory_space<vmem>> -> memref<128x8xi32, #tpu.memory_space<vmem>>
      %dma_wait3A_206 = arith.constant 0 : i32
      %dma_wait3A_207 = tpu.memref_slice %arg5[%add3A_50, %dma_wait3A_206] : memref<52x128xi32, #tpu.memory_space<vmem>> -> memref<1x128xi32, #tpu.memory_space<vmem>>
      %dma_wait3A_208 = tpu.memref_squeeze %dma_wait3A_207 : memref<1x128xi32, #tpu.memory_space<vmem>> -> memref<128xi32, #tpu.memory_space<vmem>>
      %dma_wait3A_209 = arith.constant 0 : i32
      %dma_wait3A_210 = arith.constant 0 : i32
      %dma_wait3A_211 = tpu.memref_slice %arg2[%dma_wait3A_209, %dma_wait3A_210] : memref<3200000x8xi32, #tpu.memory_space<hbm>> -> memref<3200000x8xi32, #tpu.memory_space<hbm>>
      tpu.wait_indirect_dma semaphore(%arg7 : memref<!tpu.dma_semaphore, #tpu.memory_space<semaphore_mem>>) src(%dma_wait3A_211 : memref<3200000x8xi32, #tpu.memory_space<hbm>>) dst(%dma_wait3A_205 : memref<128x8xi32, #tpu.memory_space<vmem>>)
      %dma_wait3A_212 = arith.constant 512 : i32
      %dma_wait3A_213 = arith.constant 0 : i32
      %dma_wait3A_214 = tpu.memref_slice %arg6[%dma_wait3A_212, %dma_wait3A_213] : memref<1664x8xi32, #tpu.memory_space<vmem>> -> memref<128x8xi32, #tpu.memory_space<vmem>>
      %dma_wait3A_215 = arith.constant 0 : i32
      %dma_wait3A_216 = tpu.memref_slice %arg5[%add3A_63, %dma_wait3A_215] : memref<52x128xi32, #tpu.memory_space<vmem>> -> memref<1x128xi32, #tpu.memory_space<vmem>>
      %dma_wait3A_217 = tpu.memref_squeeze %dma_wait3A_216 : memref<1x128xi32, #tpu.memory_space<vmem>> -> memref<128xi32, #tpu.memory_space<vmem>>
      %dma_wait3A_218 = arith.constant 0 : i32
      %dma_wait3A_219 = arith.constant 0 : i32
      %dma_wait3A_220 = tpu.memref_slice %arg2[%dma_wait3A_218, %dma_wait3A_219] : memref<3200000x8xi32, #tpu.memory_space<hbm>> -> memref<3200000x8xi32, #tpu.memory_space<hbm>>
      tpu.wait_indirect_dma semaphore(%arg7 : memref<!tpu.dma_semaphore, #tpu.memory_space<semaphore_mem>>) src(%dma_wait3A_220 : memref<3200000x8xi32, #tpu.memory_space<hbm>>) dst(%dma_wait3A_214 : memref<128x8xi32, #tpu.memory_space<vmem>>)
      %dma_wait3A_221 = arith.constant 640 : i32
      %dma_wait3A_222 = arith.constant 0 : i32
      %dma_wait3A_223 = tpu.memref_slice %arg6[%dma_wait3A_221, %dma_wait3A_222] : memref<1664x8xi32, #tpu.memory_space<vmem>> -> memref<128x8xi32, #tpu.memory_space<vmem>>
      %dma_wait3A_224 = arith.constant 0 : i32
      %dma_wait3A_225 = tpu.memref_slice %arg5[%add3A_76, %dma_wait3A_224] : memref<52x128xi32, #tpu.memory_space<vmem>> -> memref<1x128xi32, #tpu.memory_space<vmem>>
      %dma_wait3A_226 = tpu.memref_squeeze %dma_wait3A_225 : memref<1x128xi32, #tpu.memory_space<vmem>> -> memref<128xi32, #tpu.memory_space<vmem>>
      %dma_wait3A_227 = arith.constant 0 : i32
      %dma_wait3A_228 = arith.constant 0 : i32
      %dma_wait3A_229 = tpu.memref_slice %arg2[%dma_wait3A_227, %dma_wait3A_228] : memref<3200000x8xi32, #tpu.memory_space<hbm>> -> memref<3200000x8xi32, #tpu.memory_space<hbm>>
      tpu.wait_indirect_dma semaphore(%arg7 : memref<!tpu.dma_semaphore, #tpu.memory_space<semaphore_mem>>) src(%dma_wait3A_229 : memref<3200000x8xi32, #tpu.memory_space<hbm>>) dst(%dma_wait3A_223 : memref<128x8xi32, #tpu.memory_space<vmem>>)
      %dma_wait3A_230 = arith.constant 768 : i32
      %dma_wait3A_231 = arith.constant 0 : i32
      %dma_wait3A_232 = tpu.memref_slice %arg6[%dma_wait3A_230, %dma_wait3A_231] : memref<1664x8xi32, #tpu.memory_space<vmem>> -> memref<128x8xi32, #tpu.memory_space<vmem>>
      %dma_wait3A_233 = arith.constant 0 : i32
      %dma_wait3A_234 = tpu.memref_slice %arg5[%add3A_89, %dma_wait3A_233] : memref<52x128xi32, #tpu.memory_space<vmem>> -> memref<1x128xi32, #tpu.memory_space<vmem>>
      %dma_wait3A_235 = tpu.memref_squeeze %dma_wait3A_234 : memref<1x128xi32, #tpu.memory_space<vmem>> -> memref<128xi32, #tpu.memory_space<vmem>>
      %dma_wait3A_236 = arith.constant 0 : i32
      %dma_wait3A_237 = arith.constant 0 : i32
      %dma_wait3A_238 = tpu.memref_slice %arg2[%dma_wait3A_236, %dma_wait3A_237] : memref<3200000x8xi32, #tpu.memory_space<hbm>> -> memref<3200000x8xi32, #tpu.memory_space<hbm>>
      tpu.wait_indirect_dma semaphore(%arg7 : memref<!tpu.dma_semaphore, #tpu.memory_space<semaphore_mem>>) src(%dma_wait3A_238 : memref<3200000x8xi32, #tpu.memory_space<hbm>>) dst(%dma_wait3A_232 : memref<128x8xi32, #tpu.memory_space<vmem>>)
      %dma_wait3A_239 = arith.constant 896 : i32
      %dma_wait3A_240 = arith.constant 0 : i32
      %dma_wait3A_241 = tpu.memref_slice %arg6[%dma_wait3A_239, %dma_wait3A_240] : memref<1664x8xi32, #tpu.memory_space<vmem>> -> memref<128x8xi32, #tpu.memory_space<vmem>>
      %dma_wait3A_242 = arith.constant 0 : i32
      %dma_wait3A_243 = tpu.memref_slice %arg5[%add3A_102, %dma_wait3A_242] : memref<52x128xi32, #tpu.memory_space<vmem>> -> memref<1x128xi32, #tpu.memory_space<vmem>>
      %dma_wait3A_244 = tpu.memref_squeeze %dma_wait3A_243 : memref<1x128xi32, #tpu.memory_space<vmem>> -> memref<128xi32, #tpu.memory_space<vmem>>
      %dma_wait3A_245 = arith.constant 0 : i32
      %dma_wait3A_246 = arith.constant 0 : i32
      %dma_wait3A_247 = tpu.memref_slice %arg2[%dma_wait3A_245, %dma_wait3A_246] : memref<3200000x8xi32, #tpu.memory_space<hbm>> -> memref<3200000x8xi32, #tpu.memory_space<hbm>>
      tpu.wait_indirect_dma semaphore(%arg7 : memref<!tpu.dma_semaphore, #tpu.memory_space<semaphore_mem>>) src(%dma_wait3A_247 : memref<3200000x8xi32, #tpu.memory_space<hbm>>) dst(%dma_wait3A_241 : memref<128x8xi32, #tpu.memory_space<vmem>>)
      %dma_wait3A_248 = arith.constant 1024 : i32
      %dma_wait3A_249 = arith.constant 0 : i32
      %dma_wait3A_250 = tpu.memref_slice %arg6[%dma_wait3A_248, %dma_wait3A_249] : memref<1664x8xi32, #tpu.memory_space<vmem>> -> memref<128x8xi32, #tpu.memory_space<vmem>>
      %dma_wait3A_251 = arith.constant 0 : i32
      %dma_wait3A_252 = tpu.memref_slice %arg5[%add3A_115, %dma_wait3A_251] : memref<52x128xi32, #tpu.memory_space<vmem>> -> memref<1x128xi32, #tpu.memory_space<vmem>>
      %dma_wait3A_253 = tpu.memref_squeeze %dma_wait3A_252 : memref<1x128xi32, #tpu.memory_space<vmem>> -> memref<128xi32, #tpu.memory_space<vmem>>
      %dma_wait3A_254 = arith.constant 0 : i32
      %dma_wait3A_255 = arith.constant 0 : i32
      %dma_wait3A_256 = tpu.memref_slice %arg2[%dma_wait3A_254, %dma_wait3A_255] : memref<3200000x8xi32, #tpu.memory_space<hbm>> -> memref<3200000x8xi32, #tpu.memory_space<hbm>>
      tpu.wait_indirect_dma semaphore(%arg7 : memref<!tpu.dma_semaphore, #tpu.memory_space<semaphore_mem>>) src(%dma_wait3A_256 : memref<3200000x8xi32, #tpu.memory_space<hbm>>) dst(%dma_wait3A_250 : memref<128x8xi32, #tpu.memory_space<vmem>>)
      %dma_wait3A_257 = arith.constant 1152 : i32
      %dma_wait3A_258 = arith.constant 0 : i32
      %dma_wait3A_259 = tpu.memref_slice %arg6[%dma_wait3A_257, %dma_wait3A_258] : memref<1664x8xi32, #tpu.memory_space<vmem>> -> memref<128x8xi32, #tpu.memory_space<vmem>>
      %dma_wait3A_260 = arith.constant 0 : i32
      %dma_wait3A_261 = tpu.memref_slice %arg5[%add3A_128, %dma_wait3A_260] : memref<52x128xi32, #tpu.memory_space<vmem>> -> memref<1x128xi32, #tpu.memory_space<vmem>>
      %dma_wait3A_262 = tpu.memref_squeeze %dma_wait3A_261 : memref<1x128xi32, #tpu.memory_space<vmem>> -> memref<128xi32, #tpu.memory_space<vmem>>
      %dma_wait3A_263 = arith.constant 0 : i32
      %dma_wait3A_264 = arith.constant 0 : i32
      %dma_wait3A_265 = tpu.memref_slice %arg2[%dma_wait3A_263, %dma_wait3A_264] : memref<3200000x8xi32, #tpu.memory_space<hbm>> -> memref<3200000x8xi32, #tpu.memory_space<hbm>>
      tpu.wait_indirect_dma semaphore(%arg7 : memref<!tpu.dma_semaphore, #tpu.memory_space<semaphore_mem>>) src(%dma_wait3A_265 : memref<3200000x8xi32, #tpu.memory_space<hbm>>) dst(%dma_wait3A_259 : memref<128x8xi32, #tpu.memory_space<vmem>>)
      %dma_wait3A_266 = arith.constant 1280 : i32
      %dma_wait3A_267 = arith.constant 0 : i32
      %dma_wait3A_268 = tpu.memref_slice %arg6[%dma_wait3A_266, %dma_wait3A_267] : memref<1664x8xi32, #tpu.memory_space<vmem>> -> memref<128x8xi32, #tpu.memory_space<vmem>>
      %dma_wait3A_269 = arith.constant 0 : i32
      %dma_wait3A_270 = tpu.memref_slice %arg5[%add3A_141, %dma_wait3A_269] : memref<52x128xi32, #tpu.memory_space<vmem>> -> memref<1x128xi32, #tpu.memory_space<vmem>>
      %dma_wait3A_271 = tpu.memref_squeeze %dma_wait3A_270 : memref<1x128xi32, #tpu.memory_space<vmem>> -> memref<128xi32, #tpu.memory_space<vmem>>
      %dma_wait3A_272 = arith.constant 0 : i32
      %dma_wait3A_273 = arith.constant 0 : i32
      %dma_wait3A_274 = tpu.memref_slice %arg2[%dma_wait3A_272, %dma_wait3A_273] : memref<3200000x8xi32, #tpu.memory_space<hbm>> -> memref<3200000x8xi32, #tpu.memory_space<hbm>>
      tpu.wait_indirect_dma semaphore(%arg7 : memref<!tpu.dma_semaphore, #tpu.memory_space<semaphore_mem>>) src(%dma_wait3A_274 : memref<3200000x8xi32, #tpu.memory_space<hbm>>) dst(%dma_wait3A_268 : memref<128x8xi32, #tpu.memory_space<vmem>>)
      %dma_wait3A_275 = arith.constant 1408 : i32
      %dma_wait3A_276 = arith.constant 0 : i32
      %dma_wait3A_277 = tpu.memref_slice %arg6[%dma_wait3A_275, %dma_wait3A_276] : memref<1664x8xi32, #tpu.memory_space<vmem>> -> memref<128x8xi32, #tpu.memory_space<vmem>>
      %dma_wait3A_278 = arith.constant 0 : i32
      %dma_wait3A_279 = tpu.memref_slice %arg5[%add3A_154, %dma_wait3A_278] : memref<52x128xi32, #tpu.memory_space<vmem>> -> memref<1x128xi32, #tpu.memory_space<vmem>>
      %dma_wait3A_280 = tpu.memref_squeeze %dma_wait3A_279 : memref<1x128xi32, #tpu.memory_space<vmem>> -> memref<128xi32, #tpu.memory_space<vmem>>
      %dma_wait3A_281 = arith.constant 0 : i32
      %dma_wait3A_282 = arith.constant 0 : i32
      %dma_wait3A_283 = tpu.memref_slice %arg2[%dma_wait3A_281, %dma_wait3A_282] : memref<3200000x8xi32, #tpu.memory_space<hbm>> -> memref<3200000x8xi32, #tpu.memory_space<hbm>>
      tpu.wait_indirect_dma semaphore(%arg7 : memref<!tpu.dma_semaphore, #tpu.memory_space<semaphore_mem>>) src(%dma_wait3A_283 : memref<3200000x8xi32, #tpu.memory_space<hbm>>) dst(%dma_wait3A_277 : memref<128x8xi32, #tpu.memory_space<vmem>>)
      %dma_wait3A_284 = arith.constant 1536 : i32
      %dma_wait3A_285 = arith.constant 0 : i32
      %dma_wait3A_286 = tpu.memref_slice %arg6[%dma_wait3A_284, %dma_wait3A_285] : memref<1664x8xi32, #tpu.memory_space<vmem>> -> memref<128x8xi32, #tpu.memory_space<vmem>>
      %dma_wait3A_287 = arith.constant 0 : i32
      %dma_wait3A_288 = tpu.memref_slice %arg5[%add3A_167, %dma_wait3A_287] : memref<52x128xi32, #tpu.memory_space<vmem>> -> memref<1x128xi32, #tpu.memory_space<vmem>>
      %dma_wait3A_289 = tpu.memref_squeeze %dma_wait3A_288 : memref<1x128xi32, #tpu.memory_space<vmem>> -> memref<128xi32, #tpu.memory_space<vmem>>
      %dma_wait3A_290 = arith.constant 0 : i32
      %dma_wait3A_291 = arith.constant 0 : i32
      %dma_wait3A_292 = tpu.memref_slice %arg2[%dma_wait3A_290, %dma_wait3A_291] : memref<3200000x8xi32, #tpu.memory_space<hbm>> -> memref<3200000x8xi32, #tpu.memory_space<hbm>>
      tpu.wait_indirect_dma semaphore(%arg7 : memref<!tpu.dma_semaphore, #tpu.memory_space<semaphore_mem>>) src(%dma_wait3A_292 : memref<3200000x8xi32, #tpu.memory_space<hbm>>) dst(%dma_wait3A_286 : memref<128x8xi32, #tpu.memory_space<vmem>>)
      %mul3A_293 = arith.constant 1664 : i32
      %mul3A_294 = arith.muli %scan3A_8, %mul3A_293 : i32
      %add3A_295 = arith.addi %mul3A_2, %mul3A_294 : i32
      "tpu.region"() ({
        %run_scoped3A = tpu.sem_alloc : memref<!tpu.dma_semaphore, #tpu.memory_space<semaphore_mem>>
        %dma_start3A_296 = arith.constant 0 : i32
        %dma_start3A_297 = tpu.memref_slice %arg4[%add3A_295, %dma_start3A_296] : memref<212992x8xi32, #tpu.memory_space<hbm>> -> memref<1664x8xi32, #tpu.memory_space<hbm>>
        %dma_start3A_298 = arith.constant 0 : i32
        %dma_start3A_299 = tpu.memref_slice %arg4[%add3A_295, %dma_start3A_298] : memref<212992x8xi32, #tpu.memory_space<hbm>> -> memref<1664x8xi32, #tpu.memory_space<hbm>>
        tpu.enqueue_dma source(%arg6 : memref<1664x8xi32, #tpu.memory_space<vmem>>) target(%dma_start3A_299 : memref<1664x8xi32, #tpu.memory_space<hbm>>) target_semaphore(%run_scoped3A : memref<!tpu.dma_semaphore, #tpu.memory_space<semaphore_mem>>)
        %dma_wait3A_300 = arith.constant 0 : i32
        %dma_wait3A_301 = tpu.memref_slice %arg4[%add3A_295, %dma_wait3A_300] : memref<212992x8xi32, #tpu.memory_space<hbm>> -> memref<1664x8xi32, #tpu.memory_space<hbm>>
        %dma_wait3A_302 = arith.constant 0 : i32
        %dma_wait3A_303 = tpu.memref_slice %arg4[%add3A_295, %dma_wait3A_302] : memref<212992x8xi32, #tpu.memory_space<hbm>> -> memref<1664x8xi32, #tpu.memory_space<hbm>>
        tpu.wait_dma2 semaphore(%run_scoped3A : memref<!tpu.dma_semaphore, #tpu.memory_space<semaphore_mem>>) src(%arg6 : memref<1664x8xi32, #tpu.memory_space<vmem>>) dst(%dma_wait3A_303 : memref<1664x8xi32, #tpu.memory_space<hbm>>)
        tpu.yield
      }) : () -> ()
    }
    %scan3A_7 = arith.constant 4 : i32
    return
  }
}

#map = affine_map<(d0, d1) -> (0, 0)>
#map1 = affine_map<(d0, d1) -> (0, 0, 0)>
module attributes {stable_mosaic.version = 14 : i64} {
  func.func @k(%arg0: i32, %arg1: i32, %arg2: memref<3200000x8xi32, #tpu.memory_space<hbm>>, %arg3: memref<32x52x128xi32, #tpu.memory_space<hbm>>, %arg4: memref<212992x8xi32, #tpu.memory_space<hbm>>, %arg5: memref<52x128xi32, #tpu.memory_space<vmem>>, %arg6: memref<1664x8xi32, #tpu.memory_space<vmem>>, %arg7: memref<!tpu.dma_semaphore, #tpu.memory_space<semaphore_mem>>) attributes {dimension_semantics = [#tpu.dimension_semantics<core_parallel>, #tpu.dimension_semantics<subcore_parallel>], iteration_bounds = array<i64: 2, 16>, scalar_prefetch = 0 : i64, scratch_operands = 3 : i64, tpu.core_type = #tpu.core_type<sc_vector_subcore>, window_params = [{transform_indices = #map}, {transform_indices = #map1}, {transform_indices = #map}]} {
    %mul3A = arith.constant 2 : i32
    %mul3A_0 = arith.muli %arg1, %mul3A : i32
    %add3A = arith.addi %mul3A_0, %arg0 : i32
    %mul3A_1 = arith.constant 6656 : i32
    %mul3A_2 = arith.muli %add3A, %mul3A_1 : i32
    "tpu.region"() ({
      %run_scoped3A = tpu.sem_alloc : memref<!tpu.dma_semaphore, #tpu.memory_space<semaphore_mem>>
      %dma_start3A = arith.constant 0 : i32
      %dma_start3A_8 = arith.constant 0 : i32
      %dma_start3A_9 = tpu.memref_slice %arg3[%add3A, %dma_start3A, %dma_start3A_8] : memref<32x52x128xi32, #tpu.memory_space<hbm>> -> memref<1x52x128xi32, #tpu.memory_space<hbm>>
      %dma_start3A_10 = tpu.memref_squeeze %dma_start3A_9 : memref<1x52x128xi32, #tpu.memory_space<hbm>> -> memref<52x128xi32, #tpu.memory_space<hbm>>
      %dma_start3A_11 = arith.constant 0 : i32
      %dma_start3A_12 = arith.constant 0 : i32
      %dma_start3A_13 = tpu.memref_slice %arg3[%add3A, %dma_start3A_11, %dma_start3A_12] : memref<32x52x128xi32, #tpu.memory_space<hbm>> -> memref<1x52x128xi32, #tpu.memory_space<hbm>>
      %dma_start3A_14 = tpu.memref_squeeze %dma_start3A_13 : memref<1x52x128xi32, #tpu.memory_space<hbm>> -> memref<52x128xi32, #tpu.memory_space<hbm>>
      tpu.enqueue_dma source(%dma_start3A_14 : memref<52x128xi32, #tpu.memory_space<hbm>>) target(%arg5 : memref<52x128xi32, #tpu.memory_space<vmem>>) target_semaphore(%run_scoped3A : memref<!tpu.dma_semaphore, #tpu.memory_space<semaphore_mem>>)
      %dma_wait3A = arith.constant 0 : i32
      %dma_wait3A_15 = arith.constant 0 : i32
      %dma_wait3A_16 = tpu.memref_slice %arg3[%add3A, %dma_wait3A, %dma_wait3A_15] : memref<32x52x128xi32, #tpu.memory_space<hbm>> -> memref<1x52x128xi32, #tpu.memory_space<hbm>>
      %dma_wait3A_17 = tpu.memref_squeeze %dma_wait3A_16 : memref<1x52x128xi32, #tpu.memory_space<hbm>> -> memref<52x128xi32, #tpu.memory_space<hbm>>
      %dma_wait3A_18 = arith.constant 0 : i32
      %dma_wait3A_19 = arith.constant 0 : i32
      %dma_wait3A_20 = tpu.memref_slice %arg3[%add3A, %dma_wait3A_18, %dma_wait3A_19] : memref<32x52x128xi32, #tpu.memory_space<hbm>> -> memref<1x52x128xi32, #tpu.memory_space<hbm>>
      %dma_wait3A_21 = tpu.memref_squeeze %dma_wait3A_20 : memref<1x52x128xi32, #tpu.memory_space<hbm>> -> memref<52x128xi32, #tpu.memory_space<hbm>>
      tpu.wait_dma2 semaphore(%run_scoped3A : memref<!tpu.dma_semaphore, #tpu.memory_space<semaphore_mem>>) src(%dma_wait3A_21 : memref<52x128xi32, #tpu.memory_space<hbm>>) dst(%arg5 : memref<52x128xi32, #tpu.memory_space<vmem>>)
      tpu.yield
    }) : () -> ()
    %scan3A = arith.constant 0 : i32
    %scan3A_3 = arith.constant 0 : i32
    %scan3A_4 = arith.constant 4 : i32
    %scan3A_5 = arith.addi %scan3A_3, %scan3A_4 : i32
    %scan3A_6 = arith.constant 1 : i32
    scf.for %scan3A_8 = %scan3A_3 to %scan3A_5 step %scan3A_6  : i32 {
      %mul3A_9 = arith.constant 13 : i32
      %mul3A_10 = arith.muli %scan3A_8, %mul3A_9 : i32
      %add3A_11 = arith.constant 0 : i32
      %add3A_12 = arith.addi %mul3A_10, %add3A_11 : i32
      %dma_start3A = arith.constant 0 : i32
      %dma_start3A_13 = arith.constant 0 : i32
      %dma_start3A_14 = tpu.memref_slice %arg6[%dma_start3A, %dma_start3A_13] : memref<1664x8xi32, #tpu.memory_space<vmem>> -> memref<128x8xi32, #tpu.memory_space<vmem>>
      %dma_start3A_15 = arith.constant 0 : i32
      %dma_start3A_16 = tpu.memref_slice %arg5[%add3A_12, %dma_start3A_15] : memref<52x128xi32, #tpu.memory_space<vmem>> -> memref<1x128xi32, #tpu.memory_space<vmem>>
      %dma_start3A_17 = tpu.memref_squeeze %dma_start3A_16 : memref<1x128xi32, #tpu.memory_space<vmem>> -> memref<128xi32, #tpu.memory_space<vmem>>
      %dma_start3A_18 = arith.constant 0 : i32
      %dma_start3A_19 = arith.constant 0 : i32
      %dma_start3A_20 = tpu.memref_slice %arg2[%dma_start3A_18, %dma_start3A_19] : memref<3200000x8xi32, #tpu.memory_space<hbm>> -> memref<3200000x8xi32, #tpu.memory_space<hbm>>
      tpu.enqueue_indirect_dma source(%dma_start3A_20 : memref<3200000x8xi32, #tpu.memory_space<hbm>>) target(%dma_start3A_14 : memref<128x8xi32, #tpu.memory_space<vmem>>) offsets(%dma_start3A_17 : memref<128xi32, #tpu.memory_space<vmem>>) semaphore(%arg7 : memref<!tpu.dma_semaphore, #tpu.memory_space<semaphore_mem>>)
      %mul3A_21 = arith.constant 13 : i32
      %mul3A_22 = arith.muli %scan3A_8, %mul3A_21 : i32
      %add3A_23 = arith.constant 1 : i32
      %add3A_24 = arith.addi %mul3A_22, %add3A_23 : i32
      %dma_start3A_25 = arith.constant 128 : i32
      %dma_start3A_26 = arith.constant 0 : i32
      %dma_start3A_27 = tpu.memref_slice %arg6[%dma_start3A_25, %dma_start3A_26] : memref<1664x8xi32, #tpu.memory_space<vmem>> -> memref<128x8xi32, #tpu.memory_space<vmem>>
      %dma_start3A_28 = arith.constant 0 : i32
      %dma_start3A_29 = tpu.memref_slice %arg5[%add3A_24, %dma_start3A_28] : memref<52x128xi32, #tpu.memory_space<vmem>> -> memref<1x128xi32, #tpu.memory_space<vmem>>
      %dma_start3A_30 = tpu.memref_squeeze %dma_start3A_29 : memref<1x128xi32, #tpu.memory_space<vmem>> -> memref<128xi32, #tpu.memory_space<vmem>>
      %dma_start3A_31 = arith.constant 0 : i32
      %dma_start3A_32 = arith.constant 0 : i32
      %dma_start3A_33 = tpu.memref_slice %arg2[%dma_start3A_31, %dma_start3A_32] : memref<3200000x8xi32, #tpu.memory_space<hbm>> -> memref<3200000x8xi32, #tpu.memory_space<hbm>>
      tpu.enqueue_indirect_dma source(%dma_start3A_33 : memref<3200000x8xi32, #tpu.memory_space<hbm>>) target(%dma_start3A_27 : memref<128x8xi32, #tpu.memory_space<vmem>>) offsets(%dma_start3A_30 : memref<128xi32, #tpu.memory_space<vmem>>) semaphore(%arg7 : memref<!tpu.dma_semaphore, #tpu.memory_space<semaphore_mem>>)
      %mul3A_34 = arith.constant 13 : i32
      %mul3A_35 = arith.muli %scan3A_8, %mul3A_34 : i32
      %add3A_36 = arith.constant 2 : i32
      %add3A_37 = arith.addi %mul3A_35, %add3A_36 : i32
      %dma_start3A_38 = arith.constant 256 : i32
      %dma_start3A_39 = arith.constant 0 : i32
      %dma_start3A_40 = tpu.memref_slice %arg6[%dma_start3A_38, %dma_start3A_39] : memref<1664x8xi32, #tpu.memory_space<vmem>> -> memref<128x8xi32, #tpu.memory_space<vmem>>
      %dma_start3A_41 = arith.constant 0 : i32
      %dma_start3A_42 = tpu.memref_slice %arg5[%add3A_37, %dma_start3A_41] : memref<52x128xi32, #tpu.memory_space<vmem>> -> memref<1x128xi32, #tpu.memory_space<vmem>>
      %dma_start3A_43 = tpu.memref_squeeze %dma_start3A_42 : memref<1x128xi32, #tpu.memory_space<vmem>> -> memref<128xi32, #tpu.memory_space<vmem>>
      %dma_start3A_44 = arith.constant 0 : i32
      %dma_start3A_45 = arith.constant 0 : i32
      %dma_start3A_46 = tpu.memref_slice %arg2[%dma_start3A_44, %dma_start3A_45] : memref<3200000x8xi32, #tpu.memory_space<hbm>> -> memref<3200000x8xi32, #tpu.memory_space<hbm>>
      tpu.enqueue_indirect_dma source(%dma_start3A_46 : memref<3200000x8xi32, #tpu.memory_space<hbm>>) target(%dma_start3A_40 : memref<128x8xi32, #tpu.memory_space<vmem>>) offsets(%dma_start3A_43 : memref<128xi32, #tpu.memory_space<vmem>>) semaphore(%arg7 : memref<!tpu.dma_semaphore, #tpu.memory_space<semaphore_mem>>)
      %mul3A_47 = arith.constant 13 : i32
      %mul3A_48 = arith.muli %scan3A_8, %mul3A_47 : i32
      %add3A_49 = arith.constant 3 : i32
      %add3A_50 = arith.addi %mul3A_48, %add3A_49 : i32
      %dma_start3A_51 = arith.constant 384 : i32
      %dma_start3A_52 = arith.constant 0 : i32
      %dma_start3A_53 = tpu.memref_slice %arg6[%dma_start3A_51, %dma_start3A_52] : memref<1664x8xi32, #tpu.memory_space<vmem>> -> memref<128x8xi32, #tpu.memory_space<vmem>>
      %dma_start3A_54 = arith.constant 0 : i32
      %dma_start3A_55 = tpu.memref_slice %arg5[%add3A_50, %dma_start3A_54] : memref<52x128xi32, #tpu.memory_space<vmem>> -> memref<1x128xi32, #tpu.memory_space<vmem>>
      %dma_start3A_56 = tpu.memref_squeeze %dma_start3A_55 : memref<1x128xi32, #tpu.memory_space<vmem>> -> memref<128xi32, #tpu.memory_space<vmem>>
      %dma_start3A_57 = arith.constant 0 : i32
      %dma_start3A_58 = arith.constant 0 : i32
      %dma_start3A_59 = tpu.memref_slice %arg2[%dma_start3A_57, %dma_start3A_58] : memref<3200000x8xi32, #tpu.memory_space<hbm>> -> memref<3200000x8xi32, #tpu.memory_space<hbm>>
      tpu.enqueue_indirect_dma source(%dma_start3A_59 : memref<3200000x8xi32, #tpu.memory_space<hbm>>) target(%dma_start3A_53 : memref<128x8xi32, #tpu.memory_space<vmem>>) offsets(%dma_start3A_56 : memref<128xi32, #tpu.memory_space<vmem>>) semaphore(%arg7 : memref<!tpu.dma_semaphore, #tpu.memory_space<semaphore_mem>>)
      %mul3A_60 = arith.constant 13 : i32
      %mul3A_61 = arith.muli %scan3A_8, %mul3A_60 : i32
      %add3A_62 = arith.constant 4 : i32
      %add3A_63 = arith.addi %mul3A_61, %add3A_62 : i32
      %dma_start3A_64 = arith.constant 512 : i32
      %dma_start3A_65 = arith.constant 0 : i32
      %dma_start3A_66 = tpu.memref_slice %arg6[%dma_start3A_64, %dma_start3A_65] : memref<1664x8xi32, #tpu.memory_space<vmem>> -> memref<128x8xi32, #tpu.memory_space<vmem>>
      %dma_start3A_67 = arith.constant 0 : i32
      %dma_start3A_68 = tpu.memref_slice %arg5[%add3A_63, %dma_start3A_67] : memref<52x128xi32, #tpu.memory_space<vmem>> -> memref<1x128xi32, #tpu.memory_space<vmem>>
      %dma_start3A_69 = tpu.memref_squeeze %dma_start3A_68 : memref<1x128xi32, #tpu.memory_space<vmem>> -> memref<128xi32, #tpu.memory_space<vmem>>
      %dma_start3A_70 = arith.constant 0 : i32
      %dma_start3A_71 = arith.constant 0 : i32
      %dma_start3A_72 = tpu.memref_slice %arg2[%dma_start3A_70, %dma_start3A_71] : memref<3200000x8xi32, #tpu.memory_space<hbm>> -> memref<3200000x8xi32, #tpu.memory_space<hbm>>
      tpu.enqueue_indirect_dma source(%dma_start3A_72 : memref<3200000x8xi32, #tpu.memory_space<hbm>>) target(%dma_start3A_66 : memref<128x8xi32, #tpu.memory_space<vmem>>) offsets(%dma_start3A_69 : memref<128xi32, #tpu.memory_space<vmem>>) semaphore(%arg7 : memref<!tpu.dma_semaphore, #tpu.memory_space<semaphore_mem>>)
      %mul3A_73 = arith.constant 13 : i32
      %mul3A_74 = arith.muli %scan3A_8, %mul3A_73 : i32
      %add3A_75 = arith.constant 5 : i32
      %add3A_76 = arith.addi %mul3A_74, %add3A_75 : i32
      %dma_start3A_77 = arith.constant 640 : i32
      %dma_start3A_78 = arith.constant 0 : i32
      %dma_start3A_79 = tpu.memref_slice %arg6[%dma_start3A_77, %dma_start3A_78] : memref<1664x8xi32, #tpu.memory_space<vmem>> -> memref<128x8xi32, #tpu.memory_space<vmem>>
      %dma_start3A_80 = arith.constant 0 : i32
      %dma_start3A_81 = tpu.memref_slice %arg5[%add3A_76, %dma_start3A_80] : memref<52x128xi32, #tpu.memory_space<vmem>> -> memref<1x128xi32, #tpu.memory_space<vmem>>
      %dma_start3A_82 = tpu.memref_squeeze %dma_start3A_81 : memref<1x128xi32, #tpu.memory_space<vmem>> -> memref<128xi32, #tpu.memory_space<vmem>>
      %dma_start3A_83 = arith.constant 0 : i32
      %dma_start3A_84 = arith.constant 0 : i32
      %dma_start3A_85 = tpu.memref_slice %arg2[%dma_start3A_83, %dma_start3A_84] : memref<3200000x8xi32, #tpu.memory_space<hbm>> -> memref<3200000x8xi32, #tpu.memory_space<hbm>>
      tpu.enqueue_indirect_dma source(%dma_start3A_85 : memref<3200000x8xi32, #tpu.memory_space<hbm>>) target(%dma_start3A_79 : memref<128x8xi32, #tpu.memory_space<vmem>>) offsets(%dma_start3A_82 : memref<128xi32, #tpu.memory_space<vmem>>) semaphore(%arg7 : memref<!tpu.dma_semaphore, #tpu.memory_space<semaphore_mem>>)
      %mul3A_86 = arith.constant 13 : i32
      %mul3A_87 = arith.muli %scan3A_8, %mul3A_86 : i32
      %add3A_88 = arith.constant 6 : i32
      %add3A_89 = arith.addi %mul3A_87, %add3A_88 : i32
      %dma_start3A_90 = arith.constant 768 : i32
      %dma_start3A_91 = arith.constant 0 : i32
      %dma_start3A_92 = tpu.memref_slice %arg6[%dma_start3A_90, %dma_start3A_91] : memref<1664x8xi32, #tpu.memory_space<vmem>> -> memref<128x8xi32, #tpu.memory_space<vmem>>
      %dma_start3A_93 = arith.constant 0 : i32
      %dma_start3A_94 = tpu.memref_slice %arg5[%add3A_89, %dma_start3A_93] : memref<52x128xi32, #tpu.memory_space<vmem>> -> memref<1x128xi32, #tpu.memory_space<vmem>>
      %dma_start3A_95 = tpu.memref_squeeze %dma_start3A_94 : memref<1x128xi32, #tpu.memory_space<vmem>> -> memref<128xi32, #tpu.memory_space<vmem>>
      %dma_start3A_96 = arith.constant 0 : i32
      %dma_start3A_97 = arith.constant 0 : i32
      %dma_start3A_98 = tpu.memref_slice %arg2[%dma_start3A_96, %dma_start3A_97] : memref<3200000x8xi32, #tpu.memory_space<hbm>> -> memref<3200000x8xi32, #tpu.memory_space<hbm>>
      tpu.enqueue_indirect_dma source(%dma_start3A_98 : memref<3200000x8xi32, #tpu.memory_space<hbm>>) target(%dma_start3A_92 : memref<128x8xi32, #tpu.memory_space<vmem>>) offsets(%dma_start3A_95 : memref<128xi32, #tpu.memory_space<vmem>>) semaphore(%arg7 : memref<!tpu.dma_semaphore, #tpu.memory_space<semaphore_mem>>)
      %mul3A_99 = arith.constant 13 : i32
      %mul3A_100 = arith.muli %scan3A_8, %mul3A_99 : i32
      %add3A_101 = arith.constant 7 : i32
      %add3A_102 = arith.addi %mul3A_100, %add3A_101 : i32
      %dma_start3A_103 = arith.constant 896 : i32
      %dma_start3A_104 = arith.constant 0 : i32
      %dma_start3A_105 = tpu.memref_slice %arg6[%dma_start3A_103, %dma_start3A_104] : memref<1664x8xi32, #tpu.memory_space<vmem>> -> memref<128x8xi32, #tpu.memory_space<vmem>>
      %dma_start3A_106 = arith.constant 0 : i32
      %dma_start3A_107 = tpu.memref_slice %arg5[%add3A_102, %dma_start3A_106] : memref<52x128xi32, #tpu.memory_space<vmem>> -> memref<1x128xi32, #tpu.memory_space<vmem>>
      %dma_start3A_108 = tpu.memref_squeeze %dma_start3A_107 : memref<1x128xi32, #tpu.memory_space<vmem>> -> memref<128xi32, #tpu.memory_space<vmem>>
      %dma_start3A_109 = arith.constant 0 : i32
      %dma_start3A_110 = arith.constant 0 : i32
      %dma_start3A_111 = tpu.memref_slice %arg2[%dma_start3A_109, %dma_start3A_110] : memref<3200000x8xi32, #tpu.memory_space<hbm>> -> memref<3200000x8xi32, #tpu.memory_space<hbm>>
      tpu.enqueue_indirect_dma source(%dma_start3A_111 : memref<3200000x8xi32, #tpu.memory_space<hbm>>) target(%dma_start3A_105 : memref<128x8xi32, #tpu.memory_space<vmem>>) offsets(%dma_start3A_108 : memref<128xi32, #tpu.memory_space<vmem>>) semaphore(%arg7 : memref<!tpu.dma_semaphore, #tpu.memory_space<semaphore_mem>>)
      %mul3A_112 = arith.constant 13 : i32
      %mul3A_113 = arith.muli %scan3A_8, %mul3A_112 : i32
      %add3A_114 = arith.constant 8 : i32
      %add3A_115 = arith.addi %mul3A_113, %add3A_114 : i32
      %dma_start3A_116 = arith.constant 1024 : i32
      %dma_start3A_117 = arith.constant 0 : i32
      %dma_start3A_118 = tpu.memref_slice %arg6[%dma_start3A_116, %dma_start3A_117] : memref<1664x8xi32, #tpu.memory_space<vmem>> -> memref<128x8xi32, #tpu.memory_space<vmem>>
      %dma_start3A_119 = arith.constant 0 : i32
      %dma_start3A_120 = tpu.memref_slice %arg5[%add3A_115, %dma_start3A_119] : memref<52x128xi32, #tpu.memory_space<vmem>> -> memref<1x128xi32, #tpu.memory_space<vmem>>
      %dma_start3A_121 = tpu.memref_squeeze %dma_start3A_120 : memref<1x128xi32, #tpu.memory_space<vmem>> -> memref<128xi32, #tpu.memory_space<vmem>>
      %dma_start3A_122 = arith.constant 0 : i32
      %dma_start3A_123 = arith.constant 0 : i32
      %dma_start3A_124 = tpu.memref_slice %arg2[%dma_start3A_122, %dma_start3A_123] : memref<3200000x8xi32, #tpu.memory_space<hbm>> -> memref<3200000x8xi32, #tpu.memory_space<hbm>>
      tpu.enqueue_indirect_dma source(%dma_start3A_124 : memref<3200000x8xi32, #tpu.memory_space<hbm>>) target(%dma_start3A_118 : memref<128x8xi32, #tpu.memory_space<vmem>>) offsets(%dma_start3A_121 : memref<128xi32, #tpu.memory_space<vmem>>) semaphore(%arg7 : memref<!tpu.dma_semaphore, #tpu.memory_space<semaphore_mem>>)
      %mul3A_125 = arith.constant 13 : i32
      %mul3A_126 = arith.muli %scan3A_8, %mul3A_125 : i32
      %add3A_127 = arith.constant 9 : i32
      %add3A_128 = arith.addi %mul3A_126, %add3A_127 : i32
      %dma_start3A_129 = arith.constant 1152 : i32
      %dma_start3A_130 = arith.constant 0 : i32
      %dma_start3A_131 = tpu.memref_slice %arg6[%dma_start3A_129, %dma_start3A_130] : memref<1664x8xi32, #tpu.memory_space<vmem>> -> memref<128x8xi32, #tpu.memory_space<vmem>>
      %dma_start3A_132 = arith.constant 0 : i32
      %dma_start3A_133 = tpu.memref_slice %arg5[%add3A_128, %dma_start3A_132] : memref<52x128xi32, #tpu.memory_space<vmem>> -> memref<1x128xi32, #tpu.memory_space<vmem>>
      %dma_start3A_134 = tpu.memref_squeeze %dma_start3A_133 : memref<1x128xi32, #tpu.memory_space<vmem>> -> memref<128xi32, #tpu.memory_space<vmem>>
      %dma_start3A_135 = arith.constant 0 : i32
      %dma_start3A_136 = arith.constant 0 : i32
      %dma_start3A_137 = tpu.memref_slice %arg2[%dma_start3A_135, %dma_start3A_136] : memref<3200000x8xi32, #tpu.memory_space<hbm>> -> memref<3200000x8xi32, #tpu.memory_space<hbm>>
      tpu.enqueue_indirect_dma source(%dma_start3A_137 : memref<3200000x8xi32, #tpu.memory_space<hbm>>) target(%dma_start3A_131 : memref<128x8xi32, #tpu.memory_space<vmem>>) offsets(%dma_start3A_134 : memref<128xi32, #tpu.memory_space<vmem>>) semaphore(%arg7 : memref<!tpu.dma_semaphore, #tpu.memory_space<semaphore_mem>>)
      %mul3A_138 = arith.constant 13 : i32
      %mul3A_139 = arith.muli %scan3A_8, %mul3A_138 : i32
      %add3A_140 = arith.constant 10 : i32
      %add3A_141 = arith.addi %mul3A_139, %add3A_140 : i32
      %dma_start3A_142 = arith.constant 1280 : i32
      %dma_start3A_143 = arith.constant 0 : i32
      %dma_start3A_144 = tpu.memref_slice %arg6[%dma_start3A_142, %dma_start3A_143] : memref<1664x8xi32, #tpu.memory_space<vmem>> -> memref<128x8xi32, #tpu.memory_space<vmem>>
      %dma_start3A_145 = arith.constant 0 : i32
      %dma_start3A_146 = tpu.memref_slice %arg5[%add3A_141, %dma_start3A_145] : memref<52x128xi32, #tpu.memory_space<vmem>> -> memref<1x128xi32, #tpu.memory_space<vmem>>
      %dma_start3A_147 = tpu.memref_squeeze %dma_start3A_146 : memref<1x128xi32, #tpu.memory_space<vmem>> -> memref<128xi32, #tpu.memory_space<vmem>>
      %dma_start3A_148 = arith.constant 0 : i32
      %dma_start3A_149 = arith.constant 0 : i32
      %dma_start3A_150 = tpu.memref_slice %arg2[%dma_start3A_148, %dma_start3A_149] : memref<3200000x8xi32, #tpu.memory_space<hbm>> -> memref<3200000x8xi32, #tpu.memory_space<hbm>>
      tpu.enqueue_indirect_dma source(%dma_start3A_150 : memref<3200000x8xi32, #tpu.memory_space<hbm>>) target(%dma_start3A_144 : memref<128x8xi32, #tpu.memory_space<vmem>>) offsets(%dma_start3A_147 : memref<128xi32, #tpu.memory_space<vmem>>) semaphore(%arg7 : memref<!tpu.dma_semaphore, #tpu.memory_space<semaphore_mem>>)
      %mul3A_151 = arith.constant 13 : i32
      %mul3A_152 = arith.muli %scan3A_8, %mul3A_151 : i32
      %add3A_153 = arith.constant 11 : i32
      %add3A_154 = arith.addi %mul3A_152, %add3A_153 : i32
      %dma_start3A_155 = arith.constant 1408 : i32
      %dma_start3A_156 = arith.constant 0 : i32
      %dma_start3A_157 = tpu.memref_slice %arg6[%dma_start3A_155, %dma_start3A_156] : memref<1664x8xi32, #tpu.memory_space<vmem>> -> memref<128x8xi32, #tpu.memory_space<vmem>>
      %dma_start3A_158 = arith.constant 0 : i32
      %dma_start3A_159 = tpu.memref_slice %arg5[%add3A_154, %dma_start3A_158] : memref<52x128xi32, #tpu.memory_space<vmem>> -> memref<1x128xi32, #tpu.memory_space<vmem>>
      %dma_start3A_160 = tpu.memref_squeeze %dma_start3A_159 : memref<1x128xi32, #tpu.memory_space<vmem>> -> memref<128xi32, #tpu.memory_space<vmem>>
      %dma_start3A_161 = arith.constant 0 : i32
      %dma_start3A_162 = arith.constant 0 : i32
      %dma_start3A_163 = tpu.memref_slice %arg2[%dma_start3A_161, %dma_start3A_162] : memref<3200000x8xi32, #tpu.memory_space<hbm>> -> memref<3200000x8xi32, #tpu.memory_space<hbm>>
      tpu.enqueue_indirect_dma source(%dma_start3A_163 : memref<3200000x8xi32, #tpu.memory_space<hbm>>) target(%dma_start3A_157 : memref<128x8xi32, #tpu.memory_space<vmem>>) offsets(%dma_start3A_160 : memref<128xi32, #tpu.memory_space<vmem>>) semaphore(%arg7 : memref<!tpu.dma_semaphore, #tpu.memory_space<semaphore_mem>>)
      %mul3A_164 = arith.constant 13 : i32
      %mul3A_165 = arith.muli %scan3A_8, %mul3A_164 : i32
      %add3A_166 = arith.constant 12 : i32
      %add3A_167 = arith.addi %mul3A_165, %add3A_166 : i32
      %dma_start3A_168 = arith.constant 1536 : i32
      %dma_start3A_169 = arith.constant 0 : i32
      %dma_start3A_170 = tpu.memref_slice %arg6[%dma_start3A_168, %dma_start3A_169] : memref<1664x8xi32, #tpu.memory_space<vmem>> -> memref<128x8xi32, #tpu.memory_space<vmem>>
      %dma_start3A_171 = arith.constant 0 : i32
      %dma_start3A_172 = tpu.memref_slice %arg5[%add3A_167, %dma_start3A_171] : memref<52x128xi32, #tpu.memory_space<vmem>> -> memref<1x128xi32, #tpu.memory_space<vmem>>
      %dma_start3A_173 = tpu.memref_squeeze %dma_start3A_172 : memref<1x128xi32, #tpu.memory_space<vmem>> -> memref<128xi32, #tpu.memory_space<vmem>>
      %dma_start3A_174 = arith.constant 0 : i32
      %dma_start3A_175 = arith.constant 0 : i32
      %dma_start3A_176 = tpu.memref_slice %arg2[%dma_start3A_174, %dma_start3A_175] : memref<3200000x8xi32, #tpu.memory_space<hbm>> -> memref<3200000x8xi32, #tpu.memory_space<hbm>>
      tpu.enqueue_indirect_dma source(%dma_start3A_176 : memref<3200000x8xi32, #tpu.memory_space<hbm>>) target(%dma_start3A_170 : memref<128x8xi32, #tpu.memory_space<vmem>>) offsets(%dma_start3A_173 : memref<128xi32, #tpu.memory_space<vmem>>) semaphore(%arg7 : memref<!tpu.dma_semaphore, #tpu.memory_space<semaphore_mem>>)
      %dma_wait3A = arith.constant 0 : i32
      %dma_wait3A_177 = arith.constant 0 : i32
      %dma_wait3A_178 = tpu.memref_slice %arg6[%dma_wait3A, %dma_wait3A_177] : memref<1664x8xi32, #tpu.memory_space<vmem>> -> memref<128x8xi32, #tpu.memory_space<vmem>>
      %dma_wait3A_179 = arith.constant 0 : i32
      %dma_wait3A_180 = tpu.memref_slice %arg5[%add3A_12, %dma_wait3A_179] : memref<52x128xi32, #tpu.memory_space<vmem>> -> memref<1x128xi32, #tpu.memory_space<vmem>>
      %dma_wait3A_181 = tpu.memref_squeeze %dma_wait3A_180 : memref<1x128xi32, #tpu.memory_space<vmem>> -> memref<128xi32, #tpu.memory_space<vmem>>
      %dma_wait3A_182 = arith.constant 0 : i32
      %dma_wait3A_183 = arith.constant 0 : i32
      %dma_wait3A_184 = tpu.memref_slice %arg2[%dma_wait3A_182, %dma_wait3A_183] : memref<3200000x8xi32, #tpu.memory_space<hbm>> -> memref<3200000x8xi32, #tpu.memory_space<hbm>>
      tpu.wait_indirect_dma semaphore(%arg7 : memref<!tpu.dma_semaphore, #tpu.memory_space<semaphore_mem>>) src(%dma_wait3A_184 : memref<3200000x8xi32, #tpu.memory_space<hbm>>) dst(%dma_wait3A_178 : memref<128x8xi32, #tpu.memory_space<vmem>>)
      %dma_wait3A_185 = arith.constant 128 : i32
      %dma_wait3A_186 = arith.constant 0 : i32
      %dma_wait3A_187 = tpu.memref_slice %arg6[%dma_wait3A_185, %dma_wait3A_186] : memref<1664x8xi32, #tpu.memory_space<vmem>> -> memref<128x8xi32, #tpu.memory_space<vmem>>
      %dma_wait3A_188 = arith.constant 0 : i32
      %dma_wait3A_189 = tpu.memref_slice %arg5[%add3A_24, %dma_wait3A_188] : memref<52x128xi32, #tpu.memory_space<vmem>> -> memref<1x128xi32, #tpu.memory_space<vmem>>
      %dma_wait3A_190 = tpu.memref_squeeze %dma_wait3A_189 : memref<1x128xi32, #tpu.memory_space<vmem>> -> memref<128xi32, #tpu.memory_space<vmem>>
      %dma_wait3A_191 = arith.constant 0 : i32
      %dma_wait3A_192 = arith.constant 0 : i32
      %dma_wait3A_193 = tpu.memref_slice %arg2[%dma_wait3A_191, %dma_wait3A_192] : memref<3200000x8xi32, #tpu.memory_space<hbm>> -> memref<3200000x8xi32, #tpu.memory_space<hbm>>
      tpu.wait_indirect_dma semaphore(%arg7 : memref<!tpu.dma_semaphore, #tpu.memory_space<semaphore_mem>>) src(%dma_wait3A_193 : memref<3200000x8xi32, #tpu.memory_space<hbm>>) dst(%dma_wait3A_187 : memref<128x8xi32, #tpu.memory_space<vmem>>)
      %dma_wait3A_194 = arith.constant 256 : i32
      %dma_wait3A_195 = arith.constant 0 : i32
      %dma_wait3A_196 = tpu.memref_slice %arg6[%dma_wait3A_194, %dma_wait3A_195] : memref<1664x8xi32, #tpu.memory_space<vmem>> -> memref<128x8xi32, #tpu.memory_space<vmem>>
      %dma_wait3A_197 = arith.constant 0 : i32
      %dma_wait3A_198 = tpu.memref_slice %arg5[%add3A_37, %dma_wait3A_197] : memref<52x128xi32, #tpu.memory_space<vmem>> -> memref<1x128xi32, #tpu.memory_space<vmem>>
      %dma_wait3A_199 = tpu.memref_squeeze %dma_wait3A_198 : memref<1x128xi32, #tpu.memory_space<vmem>> -> memref<128xi32, #tpu.memory_space<vmem>>
      %dma_wait3A_200 = arith.constant 0 : i32
      %dma_wait3A_201 = arith.constant 0 : i32
      %dma_wait3A_202 = tpu.memref_slice %arg2[%dma_wait3A_200, %dma_wait3A_201] : memref<3200000x8xi32, #tpu.memory_space<hbm>> -> memref<3200000x8xi32, #tpu.memory_space<hbm>>
      tpu.wait_indirect_dma semaphore(%arg7 : memref<!tpu.dma_semaphore, #tpu.memory_space<semaphore_mem>>) src(%dma_wait3A_202 : memref<3200000x8xi32, #tpu.memory_space<hbm>>) dst(%dma_wait3A_196 : memref<128x8xi32, #tpu.memory_space<vmem>>)
      %dma_wait3A_203 = arith.constant 384 : i32
      %dma_wait3A_204 = arith.constant 0 : i32
      %dma_wait3A_205 = tpu.memref_slice %arg6[%dma_wait3A_203, %dma_wait3A_204] : memref<1664x8xi32, #tpu.memory_space<vmem>> -> memref<128x8xi32, #tpu.memory_space<vmem>>
      %dma_wait3A_206 = arith.constant 0 : i32
      %dma_wait3A_207 = tpu.memref_slice %arg5[%add3A_50, %dma_wait3A_206] : memref<52x128xi32, #tpu.memory_space<vmem>> -> memref<1x128xi32, #tpu.memory_space<vmem>>
      %dma_wait3A_208 = tpu.memref_squeeze %dma_wait3A_207 : memref<1x128xi32, #tpu.memory_space<vmem>> -> memref<128xi32, #tpu.memory_space<vmem>>
      %dma_wait3A_209 = arith.constant 0 : i32
      %dma_wait3A_210 = arith.constant 0 : i32
      %dma_wait3A_211 = tpu.memref_slice %arg2[%dma_wait3A_209, %dma_wait3A_210] : memref<3200000x8xi32, #tpu.memory_space<hbm>> -> memref<3200000x8xi32, #tpu.memory_space<hbm>>
      tpu.wait_indirect_dma semaphore(%arg7 : memref<!tpu.dma_semaphore, #tpu.memory_space<semaphore_mem>>) src(%dma_wait3A_211 : memref<3200000x8xi32, #tpu.memory_space<hbm>>) dst(%dma_wait3A_205 : memref<128x8xi32, #tpu.memory_space<vmem>>)
      %dma_wait3A_212 = arith.constant 512 : i32
      %dma_wait3A_213 = arith.constant 0 : i32
      %dma_wait3A_214 = tpu.memref_slice %arg6[%dma_wait3A_212, %dma_wait3A_213] : memref<1664x8xi32, #tpu.memory_space<vmem>> -> memref<128x8xi32, #tpu.memory_space<vmem>>
      %dma_wait3A_215 = arith.constant 0 : i32
      %dma_wait3A_216 = tpu.memref_slice %arg5[%add3A_63, %dma_wait3A_215] : memref<52x128xi32, #tpu.memory_space<vmem>> -> memref<1x128xi32, #tpu.memory_space<vmem>>
      %dma_wait3A_217 = tpu.memref_squeeze %dma_wait3A_216 : memref<1x128xi32, #tpu.memory_space<vmem>> -> memref<128xi32, #tpu.memory_space<vmem>>
      %dma_wait3A_218 = arith.constant 0 : i32
      %dma_wait3A_219 = arith.constant 0 : i32
      %dma_wait3A_220 = tpu.memref_slice %arg2[%dma_wait3A_218, %dma_wait3A_219] : memref<3200000x8xi32, #tpu.memory_space<hbm>> -> memref<3200000x8xi32, #tpu.memory_space<hbm>>
      tpu.wait_indirect_dma semaphore(%arg7 : memref<!tpu.dma_semaphore, #tpu.memory_space<semaphore_mem>>) src(%dma_wait3A_220 : memref<3200000x8xi32, #tpu.memory_space<hbm>>) dst(%dma_wait3A_214 : memref<128x8xi32, #tpu.memory_space<vmem>>)
      %dma_wait3A_221 = arith.constant 640 : i32
      %dma_wait3A_222 = arith.constant 0 : i32
      %dma_wait3A_223 = tpu.memref_slice %arg6[%dma_wait3A_221, %dma_wait3A_222] : memref<1664x8xi32, #tpu.memory_space<vmem>> -> memref<128x8xi32, #tpu.memory_space<vmem>>
      %dma_wait3A_224 = arith.constant 0 : i32
      %dma_wait3A_225 = tpu.memref_slice %arg5[%add3A_76, %dma_wait3A_224] : memref<52x128xi32, #tpu.memory_space<vmem>> -> memref<1x128xi32, #tpu.memory_space<vmem>>
      %dma_wait3A_226 = tpu.memref_squeeze %dma_wait3A_225 : memref<1x128xi32, #tpu.memory_space<vmem>> -> memref<128xi32, #tpu.memory_space<vmem>>
      %dma_wait3A_227 = arith.constant 0 : i32
      %dma_wait3A_228 = arith.constant 0 : i32
      %dma_wait3A_229 = tpu.memref_slice %arg2[%dma_wait3A_227, %dma_wait3A_228] : memref<3200000x8xi32, #tpu.memory_space<hbm>> -> memref<3200000x8xi32, #tpu.memory_space<hbm>>
      tpu.wait_indirect_dma semaphore(%arg7 : memref<!tpu.dma_semaphore, #tpu.memory_space<semaphore_mem>>) src(%dma_wait3A_229 : memref<3200000x8xi32, #tpu.memory_space<hbm>>) dst(%dma_wait3A_223 : memref<128x8xi32, #tpu.memory_space<vmem>>)
      %dma_wait3A_230 = arith.constant 768 : i32
      %dma_wait3A_231 = arith.constant 0 : i32
      %dma_wait3A_232 = tpu.memref_slice %arg6[%dma_wait3A_230, %dma_wait3A_231] : memref<1664x8xi32, #tpu.memory_space<vmem>> -> memref<128x8xi32, #tpu.memory_space<vmem>>
      %dma_wait3A_233 = arith.constant 0 : i32
      %dma_wait3A_234 = tpu.memref_slice %arg5[%add3A_89, %dma_wait3A_233] : memref<52x128xi32, #tpu.memory_space<vmem>> -> memref<1x128xi32, #tpu.memory_space<vmem>>
      %dma_wait3A_235 = tpu.memref_squeeze %dma_wait3A_234 : memref<1x128xi32, #tpu.memory_space<vmem>> -> memref<128xi32, #tpu.memory_space<vmem>>
      %dma_wait3A_236 = arith.constant 0 : i32
      %dma_wait3A_237 = arith.constant 0 : i32
      %dma_wait3A_238 = tpu.memref_slice %arg2[%dma_wait3A_236, %dma_wait3A_237] : memref<3200000x8xi32, #tpu.memory_space<hbm>> -> memref<3200000x8xi32, #tpu.memory_space<hbm>>
      tpu.wait_indirect_dma semaphore(%arg7 : memref<!tpu.dma_semaphore, #tpu.memory_space<semaphore_mem>>) src(%dma_wait3A_238 : memref<3200000x8xi32, #tpu.memory_space<hbm>>) dst(%dma_wait3A_232 : memref<128x8xi32, #tpu.memory_space<vmem>>)
      %dma_wait3A_239 = arith.constant 896 : i32
      %dma_wait3A_240 = arith.constant 0 : i32
      %dma_wait3A_241 = tpu.memref_slice %arg6[%dma_wait3A_239, %dma_wait3A_240] : memref<1664x8xi32, #tpu.memory_space<vmem>> -> memref<128x8xi32, #tpu.memory_space<vmem>>
      %dma_wait3A_242 = arith.constant 0 : i32
      %dma_wait3A_243 = tpu.memref_slice %arg5[%add3A_102, %dma_wait3A_242] : memref<52x128xi32, #tpu.memory_space<vmem>> -> memref<1x128xi32, #tpu.memory_space<vmem>>
      %dma_wait3A_244 = tpu.memref_squeeze %dma_wait3A_243 : memref<1x128xi32, #tpu.memory_space<vmem>> -> memref<128xi32, #tpu.memory_space<vmem>>
      %dma_wait3A_245 = arith.constant 0 : i32
      %dma_wait3A_246 = arith.constant 0 : i32
      %dma_wait3A_247 = tpu.memref_slice %arg2[%dma_wait3A_245, %dma_wait3A_246] : memref<3200000x8xi32, #tpu.memory_space<hbm>> -> memref<3200000x8xi32, #tpu.memory_space<hbm>>
      tpu.wait_indirect_dma semaphore(%arg7 : memref<!tpu.dma_semaphore, #tpu.memory_space<semaphore_mem>>) src(%dma_wait3A_247 : memref<3200000x8xi32, #tpu.memory_space<hbm>>) dst(%dma_wait3A_241 : memref<128x8xi32, #tpu.memory_space<vmem>>)
      %dma_wait3A_248 = arith.constant 1024 : i32
      %dma_wait3A_249 = arith.constant 0 : i32
      %dma_wait3A_250 = tpu.memref_slice %arg6[%dma_wait3A_248, %dma_wait3A_249] : memref<1664x8xi32, #tpu.memory_space<vmem>> -> memref<128x8xi32, #tpu.memory_space<vmem>>
      %dma_wait3A_251 = arith.constant 0 : i32
      %dma_wait3A_252 = tpu.memref_slice %arg5[%add3A_115, %dma_wait3A_251] : memref<52x128xi32, #tpu.memory_space<vmem>> -> memref<1x128xi32, #tpu.memory_space<vmem>>
      %dma_wait3A_253 = tpu.memref_squeeze %dma_wait3A_252 : memref<1x128xi32, #tpu.memory_space<vmem>> -> memref<128xi32, #tpu.memory_space<vmem>>
      %dma_wait3A_254 = arith.constant 0 : i32
      %dma_wait3A_255 = arith.constant 0 : i32
      %dma_wait3A_256 = tpu.memref_slice %arg2[%dma_wait3A_254, %dma_wait3A_255] : memref<3200000x8xi32, #tpu.memory_space<hbm>> -> memref<3200000x8xi32, #tpu.memory_space<hbm>>
      tpu.wait_indirect_dma semaphore(%arg7 : memref<!tpu.dma_semaphore, #tpu.memory_space<semaphore_mem>>) src(%dma_wait3A_256 : memref<3200000x8xi32, #tpu.memory_space<hbm>>) dst(%dma_wait3A_250 : memref<128x8xi32, #tpu.memory_space<vmem>>)
      %dma_wait3A_257 = arith.constant 1152 : i32
      %dma_wait3A_258 = arith.constant 0 : i32
      %dma_wait3A_259 = tpu.memref_slice %arg6[%dma_wait3A_257, %dma_wait3A_258] : memref<1664x8xi32, #tpu.memory_space<vmem>> -> memref<128x8xi32, #tpu.memory_space<vmem>>
      %dma_wait3A_260 = arith.constant 0 : i32
      %dma_wait3A_261 = tpu.memref_slice %arg5[%add3A_128, %dma_wait3A_260] : memref<52x128xi32, #tpu.memory_space<vmem>> -> memref<1x128xi32, #tpu.memory_space<vmem>>
      %dma_wait3A_262 = tpu.memref_squeeze %dma_wait3A_261 : memref<1x128xi32, #tpu.memory_space<vmem>> -> memref<128xi32, #tpu.memory_space<vmem>>
      %dma_wait3A_263 = arith.constant 0 : i32
      %dma_wait3A_264 = arith.constant 0 : i32
      %dma_wait3A_265 = tpu.memref_slice %arg2[%dma_wait3A_263, %dma_wait3A_264] : memref<3200000x8xi32, #tpu.memory_space<hbm>> -> memref<3200000x8xi32, #tpu.memory_space<hbm>>
      tpu.wait_indirect_dma semaphore(%arg7 : memref<!tpu.dma_semaphore, #tpu.memory_space<semaphore_mem>>) src(%dma_wait3A_265 : memref<3200000x8xi32, #tpu.memory_space<hbm>>) dst(%dma_wait3A_259 : memref<128x8xi32, #tpu.memory_space<vmem>>)
      %dma_wait3A_266 = arith.constant 1280 : i32
      %dma_wait3A_267 = arith.constant 0 : i32
      %dma_wait3A_268 = tpu.memref_slice %arg6[%dma_wait3A_266, %dma_wait3A_267] : memref<1664x8xi32, #tpu.memory_space<vmem>> -> memref<128x8xi32, #tpu.memory_space<vmem>>
      %dma_wait3A_269 = arith.constant 0 : i32
      %dma_wait3A_270 = tpu.memref_slice %arg5[%add3A_141, %dma_wait3A_269] : memref<52x128xi32, #tpu.memory_space<vmem>> -> memref<1x128xi32, #tpu.memory_space<vmem>>
      %dma_wait3A_271 = tpu.memref_squeeze %dma_wait3A_270 : memref<1x128xi32, #tpu.memory_space<vmem>> -> memref<128xi32, #tpu.memory_space<vmem>>
      %dma_wait3A_272 = arith.constant 0 : i32
      %dma_wait3A_273 = arith.constant 0 : i32
      %dma_wait3A_274 = tpu.memref_slice %arg2[%dma_wait3A_272, %dma_wait3A_273] : memref<3200000x8xi32, #tpu.memory_space<hbm>> -> memref<3200000x8xi32, #tpu.memory_space<hbm>>
      tpu.wait_indirect_dma semaphore(%arg7 : memref<!tpu.dma_semaphore, #tpu.memory_space<semaphore_mem>>) src(%dma_wait3A_274 : memref<3200000x8xi32, #tpu.memory_space<hbm>>) dst(%dma_wait3A_268 : memref<128x8xi32, #tpu.memory_space<vmem>>)
      %dma_wait3A_275 = arith.constant 1408 : i32
      %dma_wait3A_276 = arith.constant 0 : i32
      %dma_wait3A_277 = tpu.memref_slice %arg6[%dma_wait3A_275, %dma_wait3A_276] : memref<1664x8xi32, #tpu.memory_space<vmem>> -> memref<128x8xi32, #tpu.memory_space<vmem>>
      %dma_wait3A_278 = arith.constant 0 : i32
      %dma_wait3A_279 = tpu.memref_slice %arg5[%add3A_154, %dma_wait3A_278] : memref<52x128xi32, #tpu.memory_space<vmem>> -> memref<1x128xi32, #tpu.memory_space<vmem>>
      %dma_wait3A_280 = tpu.memref_squeeze %dma_wait3A_279 : memref<1x128xi32, #tpu.memory_space<vmem>> -> memref<128xi32, #tpu.memory_space<vmem>>
      %dma_wait3A_281 = arith.constant 0 : i32
      %dma_wait3A_282 = arith.constant 0 : i32
      %dma_wait3A_283 = tpu.memref_slice %arg2[%dma_wait3A_281, %dma_wait3A_282] : memref<3200000x8xi32, #tpu.memory_space<hbm>> -> memref<3200000x8xi32, #tpu.memory_space<hbm>>
      tpu.wait_indirect_dma semaphore(%arg7 : memref<!tpu.dma_semaphore, #tpu.memory_space<semaphore_mem>>) src(%dma_wait3A_283 : memref<3200000x8xi32, #tpu.memory_space<hbm>>) dst(%dma_wait3A_277 : memref<128x8xi32, #tpu.memory_space<vmem>>)
      %dma_wait3A_284 = arith.constant 1536 : i32
      %dma_wait3A_285 = arith.constant 0 : i32
      %dma_wait3A_286 = tpu.memref_slice %arg6[%dma_wait3A_284, %dma_wait3A_285] : memref<1664x8xi32, #tpu.memory_space<vmem>> -> memref<128x8xi32, #tpu.memory_space<vmem>>
      %dma_wait3A_287 = arith.constant 0 : i32
      %dma_wait3A_288 = tpu.memref_slice %arg5[%add3A_167, %dma_wait3A_287] : memref<52x128xi32, #tpu.memory_space<vmem>> -> memref<1x128xi32, #tpu.memory_space<vmem>>
      %dma_wait3A_289 = tpu.memref_squeeze %dma_wait3A_288 : memref<1x128xi32, #tpu.memory_space<vmem>> -> memref<128xi32, #tpu.memory_space<vmem>>
      %dma_wait3A_290 = arith.constant 0 : i32
      %dma_wait3A_291 = arith.constant 0 : i32
      %dma_wait3A_292 = tpu.memref_slice %arg2[%dma_wait3A_290, %dma_wait3A_291] : memref<3200000x8xi32, #tpu.memory_space<hbm>> -> memref<3200000x8xi32, #tpu.memory_space<hbm>>
      tpu.wait_indirect_dma semaphore(%arg7 : memref<!tpu.dma_semaphore, #tpu.memory_space<semaphore_mem>>) src(%dma_wait3A_292 : memref<3200000x8xi32, #tpu.memory_space<hbm>>) dst(%dma_wait3A_286 : memref<128x8xi32, #tpu.memory_space<vmem>>)
      %mul3A_293 = arith.constant 1664 : i32
      %mul3A_294 = arith.muli %scan3A_8, %mul3A_293 : i32
      %add3A_295 = arith.addi %mul3A_2, %mul3A_294 : i32
      "tpu.region"() ({
        %run_scoped3A = tpu.sem_alloc : memref<!tpu.dma_semaphore, #tpu.memory_space<semaphore_mem>>
        %dma_start3A_296 = arith.constant 0 : i32
        %dma_start3A_297 = tpu.memref_slice %arg4[%add3A_295, %dma_start3A_296] : memref<212992x8xi32, #tpu.memory_space<hbm>> -> memref<1664x8xi32, #tpu.memory_space<hbm>>
        %dma_start3A_298 = arith.constant 0 : i32
        %dma_start3A_299 = tpu.memref_slice %arg4[%add3A_295, %dma_start3A_298] : memref<212992x8xi32, #tpu.memory_space<hbm>> -> memref<1664x8xi32, #tpu.memory_space<hbm>>
        tpu.enqueue_dma source(%arg6 : memref<1664x8xi32, #tpu.memory_space<vmem>>) target(%dma_start3A_299 : memref<1664x8xi32, #tpu.memory_space<hbm>>) target_semaphore(%run_scoped3A : memref<!tpu.dma_semaphore, #tpu.memory_space<semaphore_mem>>)
        %dma_wait3A_300 = arith.constant 0 : i32
        %dma_wait3A_301 = tpu.memref_slice %arg4[%add3A_295, %dma_wait3A_300] : memref<212992x8xi32, #tpu.memory_space<hbm>> -> memref<1664x8xi32, #tpu.memory_space<hbm>>
        %dma_wait3A_302 = arith.constant 0 : i32
        %dma_wait3A_303 = tpu.memref_slice %arg4[%add3A_295, %dma_wait3A_302] : memref<212992x8xi32, #tpu.memory_space<hbm>> -> memref<1664x8xi32, #tpu.memory_space<hbm>>
        tpu.wait_dma2 semaphore(%run_scoped3A : memref<!tpu.dma_semaphore, #tpu.memory_space<semaphore_mem>>) src(%arg6 : memref<1664x8xi32, #tpu.memory_space<vmem>>) dst(%dma_wait3A_303 : memref<1664x8xi32, #tpu.memory_space<hbm>>)
        tpu.yield
      }) : () -> ()
    }
    %scan3A_7 = arith.constant 4 : i32
    return
  }
}

module attributes {stable_mosaic.version = 14 : i64} {
  func.func @_transpose_body(%arg0: i32, %arg1: i32, %arg2: memref<208x8192xf32, #tpu.memory_space<vmem>>, %arg3: memref<1x8192x128xi32, #tpu.memory_space<vmem>>) attributes {dimension_semantics = [#tpu.dimension_semantics<parallel>, #tpu.dimension_semantics<parallel>], iteration_bounds = array<i64: 2, 13>, scalar_prefetch = 0 : i64, scratch_operands = 0 : i64, tpu.core_type = #tpu.core_type<tc>, window_params = [{transform_indices = @transform_0, window_bounds = array<i64: 208, 8192>}, {transform_indices = @transform_1, window_bounds = array<i64: 1, 8192, 128>}]} {
    %get3A = arith.constant 0 : index
    %get3A_0 = arith.constant 0 : index
    %get3A_1 = vector.load %arg2[%get3A, %get3A_0] : memref<208x8192xf32, #tpu.memory_space<vmem>>, vector<208x8192xf32>
    %bitcast_convert_type3A = tpu.bitcast %get3A_1 : vector<208x8192xf32> -> vector<208x8192xi32>
    %shift_right_logical3A = arith.constant 16 : i32
    %shift_right_logical3A_2 = vector.broadcast %shift_right_logical3A : i32 to vector<208x8192xi32>
    %shift_right_logical3A_3 = arith.shrui %bitcast_convert_type3A, %shift_right_logical3A_2 : vector<208x8192xi32>
    %and3A = arith.constant 1 : i32
    %and3A_4 = vector.broadcast %and3A : i32 to vector<208x8192xi32>
    %and3A_5 = arith.andi %shift_right_logical3A_3, %and3A_4 : vector<208x8192xi32>
    %add3A = arith.constant 32767 : i32
    %add3A_6 = vector.broadcast %add3A : i32 to vector<208x8192xi32>
    %add3A_7 = arith.addi %bitcast_convert_type3A, %add3A_6 : vector<208x8192xi32>
    %add3A_8 = arith.addi %add3A_7, %and3A_5 : vector<208x8192xi32>
    %shift_right_logical3A_9 = arith.constant 16 : i32
    %shift_right_logical3A_10 = vector.broadcast %shift_right_logical3A_9 : i32 to vector<208x8192xi32>
    %shift_right_logical3A_11 = arith.shrui %add3A_8, %shift_right_logical3A_10 : vector<208x8192xi32>
    %reshape3A = vector.shape_cast %shift_right_logical3A_11 : vector<208x8192xi32> to vector<13x2x8x8192xi32>
    %slice3A = vector.extract_strided_slice %reshape3A {offsets = [0, 0, 0, 0], sizes = [13, 1, 8, 8192], strides = [1, 1, 1, 1]} : vector<13x2x8x8192xi32> to vector<13x1x8x8192xi32>
    %squeeze3A = vector.shape_cast %slice3A : vector<13x1x8x8192xi32> to vector<13x8x8192xi32>
    %slice3A_12 = vector.extract_strided_slice %reshape3A {offsets = [0, 1, 0, 0], sizes = [13, 1, 8, 8192], strides = [1, 1, 1, 1]} : vector<13x2x8x8192xi32> to vector<13x1x8x8192xi32>
    %squeeze3A_13 = vector.shape_cast %slice3A_12 : vector<13x1x8x8192xi32> to vector<13x8x8192xi32>
    %shift_left3A = arith.constant 16 : i32
    %shift_left3A_14 = vector.broadcast %shift_left3A : i32 to vector<13x8x8192xi32>
    %shift_left3A_15 = arith.shli %squeeze3A_13, %shift_left3A_14 : vector<13x8x8192xi32>
    %or3A = arith.ori %squeeze3A, %shift_left3A_15 : vector<13x8x8192xi32>
    %reshape3A_16 = vector.shape_cast %or3A : vector<13x8x8192xi32> to vector<104x8192xi32>
    %broadcast_in_dim3A = arith.constant 0 : i32
    %broadcast_in_dim3A_17 = vector.broadcast %broadcast_in_dim3A : i32 to vector<24x8192xi32>
    %concatenate3A = tpu.concatenate %reshape3A_16, %broadcast_in_dim3A_17 in 0 : vector<104x8192xi32>, vector<24x8192xi32> -> vector<128x8192xi32>
    %bitcast_convert_type3A_18 = tpu.bitcast %concatenate3A : vector<128x8192xi32> -> vector<128x8192xi32>
    %transpose3A = tpu.transpose %bitcast_convert_type3A_18, [1, 0] : vector<128x8192xi32> -> vector<8192x128xi32>
    %broadcast_in_dim3A_19 = vector.shape_cast %transpose3A : vector<8192x128xi32> to vector<1x8192x128xi32>
    %swap3A = arith.constant 0 : index
    %swap3A_20 = arith.constant 0 : index
    %swap3A_21 = arith.constant 0 : index
    %swap3A_22 = vector.load %arg3[%swap3A, %swap3A_20, %swap3A_21] : memref<1x8192x128xi32, #tpu.memory_space<vmem>>, vector<1x8192x128xi32>
    tpu.vector_store %arg3[%swap3A, %swap3A_20, %swap3A_21], %broadcast_in_dim3A_19 {strides = array<i32>} : memref<1x8192x128xi32, #tpu.memory_space<vmem>>, vector<1x8192x128xi32>,
    return
  }
  func.func @transform_0(%arg0: i32, %arg1: i32) -> (i32, i32) {
    %c0_i32 = arith.constant 0 : i32
    return %arg0, %arg1 : i32, i32
  }
  func.func @transform_1(%arg0: i32, %arg1: i32) -> (i32, i32, i32) {
    %c0_i32 = arith.constant 0 : i32
    %c0_i32_0 = arith.constant 0 : i32
    return %arg0, %arg1, %c0_i32 : i32, i32, i32
  }
}

module attributes {stable_mosaic.version = 14 : i64} {
  func.func @_dense_body(%arg0: i32, %arg1: memref<1024x208xi32, #tpu.memory_space<vmem>>, %arg2: memref<1x256xf32, #tpu.memory_space<vmem>>, %arg3: memref<1x256xf32, #tpu.memory_space<vmem>>, %arg4: memref<208x400xf32, #tpu.memory_space<vmem>>, %arg5: memref<208x400xf32, #tpu.memory_space<vmem>>, %arg6: memref<256x400xf32, #tpu.memory_space<vmem>>, %arg7: memref<1x400xf32, #tpu.memory_space<vmem>>, %arg8: memref<1x400xf32, #tpu.memory_space<vmem>>, %arg9: memref<1x1xf32, #tpu.memory_space<vmem>>, %arg10: memref<1024x1xf32, #tpu.memory_space<vmem>>) attributes {dimension_semantics = [#tpu.dimension_semantics<parallel>], iteration_bounds = array<i64: 8>, scalar_prefetch = 0 : i64, scratch_operands = 0 : i64, tpu.core_type = #tpu.core_type<tc>, window_params = [{transform_indices = @transform_0, window_bounds = array<i64: 1024, 208>}, {pipeline_mode = #tpu.pipeline_mode<synchronous>, transform_indices = @transform_1, window_bounds = array<i64: 1, 256>}, {pipeline_mode = #tpu.pipeline_mode<synchronous>, transform_indices = @transform_2, window_bounds = array<i64: 1, 256>}, {pipeline_mode = #tpu.pipeline_mode<synchronous>, transform_indices = @transform_3, window_bounds = array<i64: 208, 400>}, {pipeline_mode = #tpu.pipeline_mode<synchronous>, transform_indices = @transform_4, window_bounds = array<i64: 208, 400>}, {pipeline_mode = #tpu.pipeline_mode<synchronous>, transform_indices = @transform_5, window_bounds = array<i64: 256, 400>}, {pipeline_mode = #tpu.pipeline_mode<synchronous>, transform_indices = @transform_6, window_bounds = array<i64: 1, 400>}, {pipeline_mode = #tpu.pipeline_mode<synchronous>, transform_indices = @transform_7, window_bounds = array<i64: 1, 400>}, {pipeline_mode = #tpu.pipeline_mode<synchronous>, transform_indices = @transform_8, window_bounds = array<i64: 1, 1>}, {transform_indices = @transform_9, window_bounds = array<i64: 1024, 1>}]} {
    %get3A = arith.constant 0 : index
    %get3A_0 = arith.constant 0 : index
    %get3A_1 = vector.load %arg1[%get3A, %get3A_0] : memref<1024x208xi32, #tpu.memory_space<vmem>>, vector<1024x208xi32>
    %bitcast_convert_type3A = tpu.bitcast %get3A_1 : vector<1024x208xi32> -> vector<1024x208xi32>
    %shift_left3A = arith.constant 16 : i32
    %shift_left3A_2 = vector.broadcast %shift_left3A : i32 to vector<1024x208xi32>
    %shift_left3A_3 = arith.shli %bitcast_convert_type3A, %shift_left3A_2 : vector<1024x208xi32>
    %bitcast_convert_type3A_4 = tpu.bitcast %shift_left3A_3 : vector<1024x208xi32> -> vector<1024x208xf32>
    %and3A = arith.constant -65536 : i32
    %and3A_5 = vector.broadcast %and3A : i32 to vector<1024x208xi32>
    %and3A_6 = arith.andi %bitcast_convert_type3A, %and3A_5 : vector<1024x208xi32>
    %bitcast_convert_type3A_7 = tpu.bitcast %and3A_6 : vector<1024x208xi32> -> vector<1024x208xf32>
    %iota3A = tpu.iota {dimensions = array<i32: 0>} : vector<208x16xi32>
    %iota3A_8 = tpu.iota {dimensions = array<i32: 1>} : vector<208x16xi32>
    %jit3A = arith.constant 8 : i32
    %eq3A = arith.constant 0 : i32
    %eq3A_9 = arith.cmpi eq, %jit3A, %eq3A : i32
    %jit3A_10 = arith.constant 1 : i32
    %select_n3A = arith.select %eq3A_9, %jit3A_10, %jit3A : i32
    %rem3A = vector.broadcast %select_n3A : i32 to vector<208x16xi32>
    %rem3A_11 = arith.remsi %iota3A, %rem3A : vector<208x16xi32>
    %ne3A = arith.constant 0 : i32
    %ne3A_12 = vector.broadcast %ne3A : i32 to vector<208x16xi32>
    %ne3A_13 = arith.cmpi ne, %rem3A_11, %ne3A_12 : vector<208x16xi32>
    %lt3A = arith.constant 0 : i32
    %lt3A_14 = vector.broadcast %lt3A : i32 to vector<208x16xi32>
    %lt3A_15 = arith.cmpi slt, %rem3A_11, %lt3A_14 : vector<208x16xi32>
    %lt3A_16 = arith.constant 0 : i32
    %lt3A_17 = arith.cmpi slt, %select_n3A, %lt3A_16 : i32
    %ne3A_18 = vector.broadcast %lt3A_17 : i1 to vector<208x16xi1>
    %ne3A_19 = vector.broadcast %ne3A_18 : vector<208x16xi1> to vector<208x16xi1>
    %ne3A_20 = arith.xori %lt3A_15, %ne3A_19 : vector<208x16xi1>
    %and3A_21 = arith.andi %ne3A_20, %ne3A_13 : vector<208x16xi1>
    %add3A = vector.broadcast %select_n3A : i32 to vector<208x16xi32>
    %add3A_22 = arith.addi %rem3A_11, %add3A : vector<208x16xi32>
    %select_n3A_23 = arith.select %and3A_21, %add3A_22, %rem3A_11 : vector<208x16xi1>, vector<208x16xi32>
    %eq3A_24 = arith.cmpi eq, %select_n3A_23, %iota3A_8 : vector<208x16xi32>
    %convert_element_type3A = arith.extui %eq3A_24 : vector<208x16xi1> to vector<208x16xi32>
    %convert_element_type3A_25 = arith.sitofp %convert_element_type3A : vector<208x16xi32> to vector<208x16xf32>
    %jit3A_26 = arith.constant 8 : i32
    %eq3A_27 = arith.constant 0 : i32
    %eq3A_28 = arith.cmpi eq, %jit3A_26, %eq3A_27 : i32
    %jit3A_29 = arith.constant 1 : i32
    %select_n3A_30 = arith.select %eq3A_28, %jit3A_29, %jit3A_26 : i32
    %rem3A_31 = vector.broadcast %select_n3A_30 : i32 to vector<208x16xi32>
    %rem3A_32 = arith.remsi %iota3A, %rem3A_31 : vector<208x16xi32>
    %ne3A_33 = arith.constant 0 : i32
    %ne3A_34 = vector.broadcast %ne3A_33 : i32 to vector<208x16xi32>
    %ne3A_35 = arith.cmpi ne, %rem3A_32, %ne3A_34 : vector<208x16xi32>
    %lt3A_36 = arith.constant 0 : i32
    %lt3A_37 = vector.broadcast %lt3A_36 : i32 to vector<208x16xi32>
    %lt3A_38 = arith.cmpi slt, %rem3A_32, %lt3A_37 : vector<208x16xi32>
    %lt3A_39 = arith.constant 0 : i32
    %lt3A_40 = arith.cmpi slt, %select_n3A_30, %lt3A_39 : i32
    %ne3A_41 = vector.broadcast %lt3A_40 : i1 to vector<208x16xi1>
    %ne3A_42 = vector.broadcast %ne3A_41 : vector<208x16xi1> to vector<208x16xi1>
    %ne3A_43 = arith.xori %lt3A_38, %ne3A_42 : vector<208x16xi1>
    %and3A_44 = arith.andi %ne3A_43, %ne3A_35 : vector<208x16xi1>
    %add3A_45 = vector.broadcast %select_n3A_30 : i32 to vector<208x16xi32>
    %add3A_46 = arith.addi %rem3A_32, %add3A_45 : vector<208x16xi32>
    %select_n3A_47 = arith.select %and3A_44, %add3A_46, %rem3A_32 : vector<208x16xi1>, vector<208x16xi32>
    %add3A_48 = arith.constant 8 : i32
    %add3A_49 = vector.broadcast %add3A_48 : i32 to vector<208x16xi32>
    %add3A_50 = arith.addi %select_n3A_47, %add3A_49 : vector<208x16xi32>
    %eq3A_51 = arith.cmpi eq, %add3A_50, %iota3A_8 : vector<208x16xi32>
    %convert_element_type3A_52 = arith.extui %eq3A_51 : vector<208x16xi1> to vector<208x16xi32>
    %convert_element_type3A_53 = arith.sitofp %convert_element_type3A_52 : vector<208x16xi32> to vector<208x16xf32>
    %dot_general3A = arith.constant dense<0.000000e+00> : vector<1024x16xf32>
    %dot_general3A_54 = tpu.matmul %bitcast_convert_type3A_4, %convert_element_type3A_25, %dot_general3A {dimension_numbers = #tpu.dot_dimension_numbers<[1], [0], [0], [1], [0, 0, 1, 1], [], []>, transpose_lhs_hint = false} : vector<1024x208xf32>, vector<208x16xf32>, vector<1024x16xf32> -> vector<1024x16xf32>
    %dot_general3A_55 = arith.constant dense<0.000000e+00> : vector<1024x16xf32>
    %dot_general3A_56 = tpu.matmul %bitcast_convert_type3A_7, %convert_element_type3A_53, %dot_general3A_55 {dimension_numbers = #tpu.dot_dimension_numbers<[1], [0], [0], [1], [0, 0, 1, 1], [], []>, transpose_lhs_hint = false} : vector<1024x208xf32>, vector<208x16xf32>, vector<1024x16xf32> -> vector<1024x16xf32>
    %add3A_57 = arith.addf %dot_general3A_54, %dot_general3A_56 : vector<1024x16xf32>
    %iota3A_58 = tpu.iota {dimensions = array<i32: 0>} : vector<16x256xi32>
    %iota3A_59 = tpu.iota {dimensions = array<i32: 1>} : vector<16x256xi32>
    %jit3A_60 = arith.constant 16 : i32
    %div3A = vector.broadcast %jit3A_60 : i32 to vector<16x256xi32>
    %div3A_61 = arith.divsi %iota3A_59, %div3A : vector<16x256xi32>
    %sign3A = arith.constant 0 : i32
    %sign3A_62 = vector.broadcast %sign3A : i32 to vector<16x256xi32>
    %sign3A_63 = arith.cmpi sgt, %iota3A_59, %sign3A_62 : vector<16x256xi32>
    %sign3A_64 = arith.extui %sign3A_63 : vector<16x256xi1> to vector<16x256xi32>
    %sign3A_65 = arith.constant 0 : i32
    %sign3A_66 = vector.broadcast %sign3A_65 : i32 to vector<16x256xi32>
    %sign3A_67 = arith.cmpi slt, %iota3A_59, %sign3A_66 : vector<16x256xi32>
    %sign3A_68 = arith.extui %sign3A_67 : vector<16x256xi1> to vector<16x256xi32>
    %sign3A_69 = arith.subi %sign3A_64, %sign3A_68 : vector<16x256xi32>
    %sign3A_70 = arith.constant 0 : i32
    %sign3A_71 = arith.cmpi sgt, %jit3A_60, %sign3A_70 : i32
    %sign3A_72 = arith.extui %sign3A_71 : i1 to i32
    %sign3A_73 = arith.constant 0 : i32
    %sign3A_74 = arith.cmpi slt, %jit3A_60, %sign3A_73 : i32
    %sign3A_75 = arith.extui %sign3A_74 : i1 to i32
    %sign3A_76 = arith.subi %sign3A_72, %sign3A_75 : i32
    %ne3A_77 = vector.broadcast %sign3A_76 : i32 to vector<16x256xi32>
    %ne3A_78 = arith.cmpi ne, %sign3A_69, %ne3A_77 : vector<16x256xi32>
    %rem3A_79 = vector.broadcast %jit3A_60 : i32 to vector<16x256xi32>
    %rem3A_80 = arith.remsi %iota3A_59, %rem3A_79 : vector<16x256xi32>
    %ne3A_81 = arith.constant 0 : i32
    %ne3A_82 = vector.broadcast %ne3A_81 : i32 to vector<16x256xi32>
    %ne3A_83 = arith.cmpi ne, %rem3A_80, %ne3A_82 : vector<16x256xi32>
    %and3A_84 = arith.andi %ne3A_78, %ne3A_83 : vector<16x256xi1>
    %sub3A = arith.constant 1 : i32
    %sub3A_85 = vector.broadcast %sub3A : i32 to vector<16x256xi32>
    %sub3A_86 = arith.subi %div3A_61, %sub3A_85 : vector<16x256xi32>
    %select_n3A_87 = arith.select %and3A_84, %sub3A_86, %div3A_61 : vector<16x256xi1>, vector<16x256xi32>
    %eq3A_88 = arith.cmpi eq, %select_n3A_87, %iota3A_58 : vector<16x256xi32>
    %convert_element_type3A_89 = arith.extui %eq3A_88 : vector<16x256xi1> to vector<16x256xi32>
    %convert_element_type3A_90 = arith.sitofp %convert_element_type3A_89 : vector<16x256xi32> to vector<16x256xf32>
    %jit3A_91 = arith.constant 16 : i32
    %eq3A_92 = arith.constant 0 : i32
    %eq3A_93 = arith.cmpi eq, %jit3A_91, %eq3A_92 : i32
    %jit3A_94 = arith.constant 1 : i32
    %select_n3A_95 = arith.select %eq3A_93, %jit3A_94, %jit3A_91 : i32
    %rem3A_96 = vector.broadcast %select_n3A_95 : i32 to vector<16x256xi32>
    %rem3A_97 = arith.remsi %iota3A_59, %rem3A_96 : vector<16x256xi32>
    %ne3A_98 = arith.constant 0 : i32
    %ne3A_99 = vector.broadcast %ne3A_98 : i32 to vector<16x256xi32>
    %ne3A_100 = arith.cmpi ne, %rem3A_97, %ne3A_99 : vector<16x256xi32>
    %lt3A_101 = arith.constant 0 : i32
    %lt3A_102 = vector.broadcast %lt3A_101 : i32 to vector<16x256xi32>
    %lt3A_103 = arith.cmpi slt, %rem3A_97, %lt3A_102 : vector<16x256xi32>
    %lt3A_104 = arith.constant 0 : i32
    %lt3A_105 = arith.cmpi slt, %select_n3A_95, %lt3A_104 : i32
    %ne3A_106 = vector.broadcast %lt3A_105 : i1 to vector<16x256xi1>
    %ne3A_107 = vector.broadcast %ne3A_106 : vector<16x256xi1> to vector<16x256xi1>
    %ne3A_108 = arith.xori %lt3A_103, %ne3A_107 : vector<16x256xi1>
    %and3A_109 = arith.andi %ne3A_108, %ne3A_100 : vector<16x256xi1>
    %add3A_110 = vector.broadcast %select_n3A_95 : i32 to vector<16x256xi32>
    %add3A_111 = arith.addi %rem3A_97, %add3A_110 : vector<16x256xi32>
    %select_n3A_112 = arith.select %and3A_109, %add3A_111, %rem3A_97 : vector<16x256xi1>, vector<16x256xi32>
    %eq3A_113 = arith.cmpi eq, %select_n3A_112, %iota3A_58 : vector<16x256xi32>
    %convert_element_type3A_114 = arith.extui %eq3A_113 : vector<16x256xi1> to vector<16x256xi32>
    %convert_element_type3A_115 = arith.sitofp %convert_element_type3A_114 : vector<16x256xi32> to vector<16x256xf32>
    %dot_general3A_116 = arith.constant dense<0.000000e+00> : vector<1024x256xf32>
    %dot_general3A_117 = tpu.matmul %add3A_57, %convert_element_type3A_90, %dot_general3A_116 {dimension_numbers = #tpu.dot_dimension_numbers<[1], [0], [0], [1], [0, 0, 1, 1], [], []>, transpose_lhs_hint = false} : vector<1024x16xf32>, vector<16x256xf32>, vector<1024x256xf32> -> vector<1024x256xf32>
    %dot_general3A_118 = arith.constant dense<0.000000e+00> : vector<1024x256xf32>
    %dot_general3A_119 = tpu.matmul %add3A_57, %convert_element_type3A_115, %dot_general3A_118 {dimension_numbers = #tpu.dot_dimension_numbers<[1], [0], [0], [1], [0, 0, 1, 1], [], []>, transpose_lhs_hint = false} : vector<1024x16xf32>, vector<16x256xf32>, vector<1024x256xf32> -> vector<1024x256xf32>
    %mul3A = arith.mulf %dot_general3A_117, %dot_general3A_119 : vector<1024x256xf32>
    %reduce_sum3A = arith.constant dense<0.000000e+00> : vector<1024xf32>
    %reduce_sum3A_120 = vector.multi_reduction <add>, %add3A_57, %reduce_sum3A [1] : vector<1024x16xf32> to vector<1024xf32>
    %broadcast_in_dim3A = vector.shape_cast %reduce_sum3A_120 : vector<1024xf32> to vector<1024x1xf32>
    %mul3A_121 = arith.mulf %add3A_57, %add3A_57 : vector<1024x16xf32>
    %reduce_sum3A_122 = arith.constant dense<0.000000e+00> : vector<1024xf32>
    %reduce_sum3A_123 = vector.multi_reduction <add>, %mul3A_121, %reduce_sum3A_122 [1] : vector<1024x16xf32> to vector<1024xf32>
    %broadcast_in_dim3A_124 = vector.shape_cast %reduce_sum3A_123 : vector<1024xf32> to vector<1024x1xf32>
    %mul3A_125 = arith.mulf %broadcast_in_dim3A, %broadcast_in_dim3A : vector<1024x1xf32>
    %mul3A_126 = arith.constant 3.906250e-03 : f32
    %mul3A_127 = vector.broadcast %mul3A_126 : f32 to vector<1024x1xf32>
    %mul3A_128 = arith.mulf %mul3A_125, %mul3A_127 : vector<1024x1xf32>
    %mul3A_129 = arith.mulf %broadcast_in_dim3A_124, %broadcast_in_dim3A_124 : vector<1024x1xf32>
    %mul3A_130 = arith.constant 3.906250e-03 : f32
    %mul3A_131 = vector.broadcast %mul3A_130 : f32 to vector<1024x1xf32>
    %mul3A_132 = arith.mulf %mul3A_129, %mul3A_131 : vector<1024x1xf32>
    %mul3A_133 = arith.mulf %mul3A_128, %mul3A_128 : vector<1024x1xf32>
    %sub3A_134 = arith.subf %mul3A_132, %mul3A_133 : vector<1024x1xf32>
    %sub3A_135 = vector.broadcast %mul3A_128 : vector<1024x1xf32> to vector<1024x256xf32>
    %sub3A_136 = arith.subf %mul3A, %sub3A_135 : vector<1024x256xf32>
    %rsqrt3A = math.rsqrt %sub3A_134 : vector<1024x1xf32>
    %mul3A_137 = vector.broadcast %rsqrt3A : vector<1024x1xf32> to vector<1024x256xf32>
    %mul3A_138 = arith.mulf %sub3A_136, %mul3A_137 : vector<1024x256xf32>
    %get3A_139 = arith.constant 0 : index
    %get3A_140 = arith.constant 0 : index
    %get3A_141 = vector.load %arg2[%get3A_139, %get3A_140] : memref<1x256xf32, #tpu.memory_space<vmem>>, vector<1x256xf32>
    %mul3A_142 = vector.broadcast %get3A_141 : vector<1x256xf32> to vector<1024x256xf32>
    %mul3A_143 = arith.mulf %mul3A_138, %mul3A_142 : vector<1024x256xf32>
    %get3A_144 = arith.constant 0 : index
    %get3A_145 = arith.constant 0 : index
    %get3A_146 = vector.load %arg3[%get3A_144, %get3A_145] : memref<1x256xf32, #tpu.memory_space<vmem>>, vector<1x256xf32>
    %add3A_147 = vector.broadcast %get3A_146 : vector<1x256xf32> to vector<1024x256xf32>
    %add3A_148 = arith.addf %mul3A_143, %add3A_147 : vector<1024x256xf32>
    %get3A_149 = arith.constant 0 : index
    %get3A_150 = arith.constant 0 : index
    %get3A_151 = vector.load %arg4[%get3A_149, %get3A_150] : memref<208x400xf32, #tpu.memory_space<vmem>>, vector<208x400xf32>
    %dot_general3A_152 = arith.constant dense<0.000000e+00> : vector<1024x400xf32>
    %dot_general3A_153 = tpu.matmul %bitcast_convert_type3A_4, %get3A_151, %dot_general3A_152 {dimension_numbers = #tpu.dot_dimension_numbers<[1], [0], [0], [1], [0, 0, 1, 1], [], []>, transpose_lhs_hint = false} : vector<1024x208xf32>, vector<208x400xf32>, vector<1024x400xf32> -> vector<1024x400xf32>
    %get3A_154 = arith.constant 0 : index
    %get3A_155 = arith.constant 0 : index
    %get3A_156 = vector.load %arg5[%get3A_154, %get3A_155] : memref<208x400xf32, #tpu.memory_space<vmem>>, vector<208x400xf32>
    %dot_general3A_157 = arith.constant dense<0.000000e+00> : vector<1024x400xf32>
    %dot_general3A_158 = tpu.matmul %bitcast_convert_type3A_7, %get3A_156, %dot_general3A_157 {dimension_numbers = #tpu.dot_dimension_numbers<[1], [0], [0], [1], [0, 0, 1, 1], [], []>, transpose_lhs_hint = false} : vector<1024x208xf32>, vector<208x400xf32>, vector<1024x400xf32> -> vector<1024x400xf32>
    %add3A_159 = arith.addf %dot_general3A_153, %dot_general3A_158 : vector<1024x400xf32>
    %get3A_160 = arith.constant 0 : index
    %get3A_161 = arith.constant 0 : index
    %get3A_162 = vector.load %arg6[%get3A_160, %get3A_161] : memref<256x400xf32, #tpu.memory_space<vmem>>, vector<256x400xf32>
    %dot_general3A_163 = arith.constant dense<0.000000e+00> : vector<1024x400xf32>
    %dot_general3A_164 = tpu.matmul %add3A_148, %get3A_162, %dot_general3A_163 {dimension_numbers = #tpu.dot_dimension_numbers<[1], [0], [0], [1], [0, 0, 1, 1], [], []>, transpose_lhs_hint = false} : vector<1024x256xf32>, vector<256x400xf32>, vector<1024x400xf32> -> vector<1024x400xf32>
    %add3A_165 = arith.addf %add3A_159, %dot_general3A_164 : vector<1024x400xf32>
    %get3A_166 = arith.constant 0 : index
    %get3A_167 = arith.constant 0 : index
    %get3A_168 = vector.load %arg7[%get3A_166, %get3A_167] : memref<1x400xf32, #tpu.memory_space<vmem>>, vector<1x400xf32>
    %add3A_169 = vector.broadcast %get3A_168 : vector<1x400xf32> to vector<1024x400xf32>
    %add3A_170 = arith.addf %add3A_165, %add3A_169 : vector<1024x400xf32>
    %max3A = arith.constant 0.000000e+00 : f32
    %max3A_171 = vector.broadcast %max3A : f32 to vector<1024x400xf32>
    %max3A_172 = arith.maximumf %add3A_170, %max3A_171 : vector<1024x400xf32>
    %get3A_173 = arith.constant 0 : index
    %get3A_174 = arith.constant 0 : index
    %get3A_175 = vector.load %arg8[%get3A_173, %get3A_174] : memref<1x400xf32, #tpu.memory_space<vmem>>, vector<1x400xf32>
    %mul3A_176 = vector.broadcast %get3A_175 : vector<1x400xf32> to vector<1024x400xf32>
    %mul3A_177 = arith.mulf %max3A_172, %mul3A_176 : vector<1024x400xf32>
    %reduce_sum3A_178 = arith.constant dense<0.000000e+00> : vector<1024xf32>
    %reduce_sum3A_179 = vector.multi_reduction <add>, %mul3A_177, %reduce_sum3A_178 [1] : vector<1024x400xf32> to vector<1024xf32>
    %broadcast_in_dim3A_180 = vector.shape_cast %reduce_sum3A_179 : vector<1024xf32> to vector<1024x1xf32>
    %get3A_181 = arith.constant 0 : index
    %get3A_182 = arith.constant 0 : index
    %get3A_183 = vector.load %arg9[%get3A_181, %get3A_182] : memref<1x1xf32, #tpu.memory_space<vmem>>, vector<1x1xf32>
    %add3A_184 = vector.broadcast %get3A_183 : vector<1x1xf32> to vector<1024x1xf32>
    %add3A_185 = arith.addf %broadcast_in_dim3A_180, %add3A_184 : vector<1024x1xf32>
    %neg3A = arith.constant 0.000000e+00 : f32
    %neg3A_186 = vector.broadcast %neg3A : f32 to vector<1024x1xf32>
    %neg3A_187 = arith.subf %neg3A_186, %add3A_185 : vector<1024x1xf32>
    %exp3A = math.exp %neg3A_187 : vector<1024x1xf32>
    %add3A_188 = arith.constant 1.000000e+00 : f32
    %add3A_189 = vector.broadcast %add3A_188 : f32 to vector<1024x1xf32>
    %add3A_190 = arith.addf %add3A_189, %exp3A : vector<1024x1xf32>
    %div3A_191 = arith.constant 1.000000e+00 : f32
    %div3A_192 = vector.broadcast %div3A_191 : f32 to vector<1024x1xf32>
    %div3A_193 = arith.divf %div3A_192, %add3A_190 : vector<1024x1xf32>
    %swap3A = arith.constant 0 : index
    %swap3A_194 = arith.constant 0 : index
    %swap3A_195 = vector.load %arg10[%swap3A, %swap3A_194] : memref<1024x1xf32, #tpu.memory_space<vmem>>, vector<1024x1xf32>
    tpu.vector_store %arg10[%swap3A, %swap3A_194], %div3A_193 {strides = array<i32>} : memref<1024x1xf32, #tpu.memory_space<vmem>>, vector<1024x1xf32>,
    return
  }
  func.func @transform_0(%arg0: i32) -> (i32, i32) {
    %c0_i32 = arith.constant 0 : i32
    %c0_i32_0 = arith.constant 0 : i32
    return %arg0, %c0_i32 : i32, i32
  }
  func.func @transform_1(%arg0: i32) -> (i32, i32) {
    %c0_i32 = arith.constant 0 : i32
    %c0_i32_0 = arith.constant 0 : i32
    %c0_i32_1 = arith.constant 0 : i32
    return %c0_i32, %c0_i32_0 : i32, i32
  }
  func.func @transform_2(%arg0: i32) -> (i32, i32) {
    %c0_i32 = arith.constant 0 : i32
    %c0_i32_0 = arith.constant 0 : i32
    %c0_i32_1 = arith.constant 0 : i32
    return %c0_i32, %c0_i32_0 : i32, i32
  }
  func.func @transform_3(%arg0: i32) -> (i32, i32) {
    %c0_i32 = arith.constant 0 : i32
    %c0_i32_0 = arith.constant 0 : i32
    %c0_i32_1 = arith.constant 0 : i32
    return %c0_i32, %c0_i32_0 : i32, i32
  }
  func.func @transform_4(%arg0: i32) -> (i32, i32) {
    %c0_i32 = arith.constant 0 : i32
    %c0_i32_0 = arith.constant 0 : i32
    %c0_i32_1 = arith.constant 0 : i32
    return %c0_i32, %c0_i32_0 : i32, i32
  }
  func.func @transform_5(%arg0: i32) -> (i32, i32) {
    %c0_i32 = arith.constant 0 : i32
    %c0_i32_0 = arith.constant 0 : i32
    %c0_i32_1 = arith.constant 0 : i32
    return %c0_i32, %c0_i32_0 : i32, i32
  }
  func.func @transform_6(%arg0: i32) -> (i32, i32) {
    %c0_i32 = arith.constant 0 : i32
    %c0_i32_0 = arith.constant 0 : i32
    %c0_i32_1 = arith.constant 0 : i32
    return %c0_i32, %c0_i32_0 : i32, i32
  }
  func.func @transform_7(%arg0: i32) -> (i32, i32) {
    %c0_i32 = arith.constant 0 : i32
    %c0_i32_0 = arith.constant 0 : i32
    %c0_i32_1 = arith.constant 0 : i32
    return %c0_i32, %c0_i32_0 : i32, i32
  }
  func.func @transform_8(%arg0: i32) -> (i32, i32) {
    %c0_i32 = arith.constant 0 : i32
    %c0_i32_0 = arith.constant 0 : i32
    %c0_i32_1 = arith.constant 0 : i32
    return %c0_i32, %c0_i32_0 : i32, i32
  }
  func.func @transform_9(%arg0: i32) -> (i32, i32) {
    %c0_i32 = arith.constant 0 : i32
    %c0_i32_0 = arith.constant 0 : i32
    return %arg0, %c0_i32 : i32, i32
  }
}

</mosaic_0001>

<sc_bundles>
// kernel: kernel.10.cloned.1.call-start
scs
__scs_entry_jumppad:
0x0: {  	(pc) =	sbr.rel $0x88, $3  }
0x1: {  	(tag) =	ssettag $0x0;
	lr =	simm.s32 $0x1  }
0x2: {  	[smem:$0x3F99] =	sst lr;
	_ =	strace $0xD0000000  }
0x3: {  	_ = 	snop  }
0x4: {  	_ = 	snop  }
0x5: {  	_ = 	snop  }
0x6: {  	_ = 	snop  }
0x7: {  	_ = 	snop  }
__scs_overlays_trampoline_lowered:
0x8: {  	[smem:$0x3FA8] =	sst s0  }
0x9: {  	[smem:$0x3FA9] =	sst s1  }
0xa: {  	[smem:$0x3FAA] =	sst s2  }
0xb: {  	[smem:$0x3FAB] =	sst s3  }
0xc: {  	[smem:$0x3FAC] =	sst s4  }
0xd: {  	[smem:$0x3FAD] =	sst s5  }
0xe: {  	[smem:$0x3FAE] =	sst s6  }
0xf: {  	[smem:$0x3FAF] =	sst s7  }
0x10: {  	[smem:$0x3FB0] =	sst s8  }
0x11: {  	[smem:$0x3FB1] =	sst s9;
	s0 =	simm.s32 @!p0 $0x0  }
0x12: {  	s1 =	sld [smem:$0x3F97];
	s0 =	simm.s32 @p0 $0x1  }
0x13: {  	[smem:$0x3FB2] =	sst s0;
	s0 =	simm.s32 @!p1 $0x0  }
0x14: {  	s2 =	sld [smem:$0x3F96];
	s0 =	simm.s32 @p1 $0x1  }
0x15: {  	[smem:$0x3FB3] =	sst s0;
	s0 =	simm.s32 @!p2 $0x0  }
0x16: {  	s3 =	sld [smem:$0x3FDB];
	s0 =	simm.s32 @p2 $0x1  }
0x17: {  	s4 =	simm.s32 $0x1BF5;
	[smem:$0x3FB5] =	sst s0  }
0x18: {  	s0 =	sld [smem:$0x3F98];
	_ =	swait.ge [sflag:s4], $0x0  }
0x19: {  	s7 =	sld [smem:$0x3F99]  }
0x1a: {  	s8 =	sadd.s32 $0xFFFFE003, lr  }
0x1b: {  	s9 =	sadd.s32 $0xFFFFFEF7, lr;
	s5 =	simm.s32 $0xFFFFFFFF;
	p2 =	slt.u32 s8, $0xFFFFF086  }
0x1c: {  	p1 =	slt.u32 s9, $0xF7A;
	s5 =	simm.s32 @!p2 $0x0  }
0x1d: {  	s5 =	simm.s32 @p1 $0x1;
	p0 =	seq.s32 s7, s2  }
0x1e: {  	s7 =	smul.u32 @!p0 $0xF7A, s2;
	p2 =	seq.s32 @!p0 s5, $0x0  }
0x1f: {  	s9 =	smul.u32 $0xF7A, s1;
	s8 =	simm.s32 @!p0 $0x1BF5;
	p2 =	por !p2, p0  }
0x20: {  	[sflag:s8] =	ssyncset.s32 @!p0 $0xFFFFF086;
	s6 =	sadd.s32 @!p0 s3, s7;
	s7 =	simm.s32 @!p0 $0x108  }
0x21: {  	s3 =	sadd.s32 s3, s9;
	s6 =	sadd.s32 @!p0 $0x88, s6;
	s7 =	simm.s32 @p2 $0x1082  }
0x22: {  	[simem:s7], [sflag:s8] =	dma.local @!p0 [hbm:s6], $0xF7A  }
0x23: {  	s9 =	sor.u32 $0xD0000000, s2;
	s6 =	simm.s32 $0x108;
	_ =	swait.ge @!p0 [sflag:s8], $0x0  }
0x24: {  	s3 =	sadd.s32 $0x88, s3;
	s6 =	simm.s32 @!p1 $0x1082;
	[sflag:s4] =	ssyncset.s32 $0xFFFFF086  }
0x25: {  	[simem:s6], [sflag:s4] =	dma.local [hbm:s3], $0xF7A  }
0x26: {  	[smem:$0x3F99] =	sst s1;
	(tag) =	ssettag s2;
	_ =	strace s9  }
0x27: {  	s1 =	sld [smem:$0x3FA9]  }
0x28: {  	s2 =	sld [smem:$0x3FAA]  }
0x29: {  	s4 =	sld [smem:$0x3FAC]  }
0x2a: {  	p0 =	seq.s32 s5, $0x0;
	s5 =	sld [smem:$0x3FAD]  }
0x2b: {  	s6 =	sld [smem:$0x3FAE]  }
0x2c: {  	s7 =	sld [smem:$0x3FAF]  }
0x2d: {  	s3 =	simm.s32 $0x108;
	s8 =	sld [smem:$0x3FB0]  }
0x2e: {  	s3 =	simm.s32 @!p0 $0x1082;
	s9 =	sld [smem:$0x3FB1]  }
0x2f: {  	lr =	sadd.s32 s0, s3;
	s0 =	sld [smem:$0x3FA8]  }
0x30: {  	s3 =	sld [smem:$0x3FAB]  }
0x31: {  	[smem:$0x3FB4] =	sst s10  }
0x32: {  	s10 =	sld [smem:$0x3FB2];
	_ =	sdelay $0x3  }
0x33: {  	p0 =	seq.s32 s10, $0x1;
	s10 =	sld [smem:$0x3FB4];
	_ =	sdelay $0x3  }
0x34: {  	[smem:$0x3FB4] =	sst s10  }
0x35: {  	s10 =	sld [smem:$0x3FB3];
	_ =	sdelay $0x3  }
0x36: {  	p1 =	seq.s32 s10, $0x1;
	s10 =	sld [smem:$0x3FB4];
	_ =	sdelay $0x3  }
0x37: {  	[smem:$0x3FB4] =	sst s10  }
0x38: {  	s10 =	sld [smem:$0x3FB5]  }
0x39: {  	_ = 	snop;
	(pc) =	sbr.ind lr, $3  }
0x3a: {  	_ = 	snop  }
0x3b: {  	_ = 	snop  }
0x3c: {  	p2 =	seq.s32 s10, $0x1;
	s10 =	sld [smem:$0x3FB4]  }
0x3d: {  	_ =	shalt  }
0x3e: {  	_ =	shalt  }
0x3f: {  	_ =	shalt  }
0x40: {  	_ =	shalt  }
0x41: {  	_ =	shalt  }
0x42: {  	_ =	shalt  }
0x43: {  	_ =	shalt  }
0x44: {  	_ =	shalt  }
0x45: {  	_ =	shalt  }
0x46: {  	_ =	shalt  }
0x47: {  	_ =	shalt  }
0x48: {  	_ =	shalt  }
0x49: {  	_ =	shalt  }
0x4a: {  	_ =	shalt  }
0x4b: {  	_ =	shalt  }
0x4c: {  	_ =	shalt  }
0x4d: {  	_ =	shalt  }
0x4e: {  	_ =	shalt  }
0x4f: {  	_ =	shalt  }
0x50: {  	_ =	shalt  }
0x51: {  	_ =	shalt  }
0x52: {  	_ =	shalt  }
0x53: {  	_ =	shalt  }
0x54: {  	_ =	shalt  }
0x55: {  	_ =	shalt  }
0x56: {  	_ =	shalt  }
0x57: {  	_ =	shalt  }
0x58: {  	_ =	shalt  }
0x59: {  	_ =	shalt  }
0x5a: {  	_ =	shalt  }
0x5b: {  	_ =	shalt  }
0x5c: {  	_ =	shalt  }
0x5d: {  	_ =	shalt  }
0x5e: {  	_ =	shalt  }
0x5f: {  	_ =	shalt  }
0x60: {  	_ =	shalt  }
0x61: {  	_ =	shalt  }
0x62: {  	_ =	shalt  }
0x63: {  	_ =	shalt  }
0x64: {  	_ =	shalt  }
0x65: {  	_ =	shalt  }
0x66: {  	_ =	shalt  }
0x67: {  	_ =	shalt  }
0x68: {  	_ =	shalt  }
0x69: {  	_ =	shalt  }
0x6a: {  	_ =	shalt  }
0x6b: {  	_ =	shalt  }
0x6c: {  	_ =	shalt  }
0x6d: {  	_ =	shalt  }
0x6e: {  	_ =	shalt  }
0x6f: {  	_ =	shalt  }
0x70: {  	_ =	shalt  }
0x71: {  	_ =	shalt  }
0x72: {  	_ =	shalt  }
0x73: {  	_ =	shalt  }
0x74: {  	_ =	shalt  }
0x75: {  	_ =	shalt  }
0x76: {  	_ =	shalt  }
0x77: {  	_ =	shalt  }
0x78: {  	_ =	shalt  }
0x79: {  	_ =	shalt  }
0x7a: {  	_ =	shalt  }
0x7b: {  	_ =	shalt  }
0x7c: {  	_ =	shalt  }
0x7d: {  	_ =	shalt  }
0x7e: {  	_ =	shalt  }
0x7f: {  	_ =	shalt  }
0x80: {  	_ =	shalt  }
0x81: {  	_ =	shalt  }
0x82: {  	_ =	shalt  }
0x83: {  	_ =	shalt  }
0x84: {  	_ =	shalt  }
0x85: {  	_ =	shalt  }
0x86: {  	_ =	shalt  }
0x87: {  	_ =	shalt  }
.Lfunc_end0:
.L_simem_size_0:
called_computation.1_lowered:
.L_overlay_start_0:
0x88: {  	s2 =	sld [smem:$0x3FD9]  }
0x89: {  	s3 =	sld [smem:$0x3FFE];
	_ =	sdelay $0x1  }
0x8a: {  	s1 =	srdreg.scid  }
0x8b: {  	s0 =	sand.u32 $0x1, s1  }
0x8c: {  	s17 =	sshll.u32 s0, $0xA;
	s2 =	sadd.s32 s3, s2  }
0x8d: {  	s2 =	sadd.s32 s2, s17  }
0x8e: {  	[smem:$0x3FC0] =	sst s2  }
0x8f: {  	_ = 	snop  }
0x90: {  	(tm) =	ssettm $0x1  }
0x91: {  	s18 =	sld [smem:$0x3FFB];
	_ =	sdelay $0x3  }
0x92: {  	_ =	strace s18  }
0x93: {  	s2 =	sld [smem:$0x3FFC];
	_ =	sdelay $0x3  }
0x94: {  	_ =	strace s2  }
0x95: {  	s2 =	sld [smem:$0x3FFD];
	_ =	sdelay $0x3  }
0x96: {  	_ =	strace s2  }
0x97: {  	_ =	strace $0x8FFFFFFF  }
0x98: {  	s19 =	sld [smem:$0x3FDB];
	_ =	sdelay $0x1  }
0x99: {  	s20 =	simm.s32 $_scs_section_size  }
0x9a: {  	s4 =	simm.s32 $_size__tile_overlayer_lowered;
	s5 =	simm.s32 $_tile_overlayer_lowered  }
0x9b: {  	s6 =	simm.s32 $0x1BFF;
	s21 =	sshll.u32 s5, $0x1;
	s3 =	sadd.s32 s20, s19  }
0x9c: {  	s22 =	simm.s32 $0x0;
	s4 =	sshll.u32 s4, $0x1;
	s5 =	sadd.s32 s21, s3  }
0x9d: {  	[timem:s22], [sflag:s6] =	dma.local [hbm:s5], s4  }
0x9e: {  	_ =	swait.ge [sflag:s6], s4  }
0x9f: {  	s4 =	ssub.s32 $0x0, s4;
	[sflag:s6] =	ssyncset.done $0x0  }
0xa0: {  	[sflag:s6] =	ssyncadd.s32 s4;
	_ =	sdelay $0x1  }
0xa1: {  	s23 =	simm.s32 $0x1B8B  }
0xa2: {  	_ =	swait.ge [sflag:s23], $0x1  }
0xa3: {  	[sflag:s23] =	ssyncset.done $0x0  }
0xa4: {  	[sflag:s23] =	ssyncadd.s32 $0xFFFFFFFF  }
0xa5: {  	s4 =	sld [smem:$0x0]  }
0xa6: {  	s5 =	sand.u32 $0xFFFFFFFE, s1  }
0xa7: {  	p0 =	sne.s32 s1, s5  }
0xa8: {  	s5 =	sshll.u32 @p0 s5, $0xE  }
0xa9: {  	s5 =	sadd.s32 @p0 $0x11B8D, s5;
	s6 =	sshll.u32 @p0 s4, $0x11  }
0xaa: {  	s5 =	sor.u32 @p0 s6, s5  }
0xab: {  	[sflag:s5] =	ssyncadd.remote.s32 @p0 $0x1;
	_ =	sdelay $0x1  }
0xac: {  	s5 =	simm.s32 @p0 $0x1B8D  }
0xad: {  	_ =	swait.eq @p0 [sflag:s5], $0x1  }
0xae: {  	[sflag:s5] =	ssyncadd.s32 @p0 $0xFFFFFFFF  }
0xaf: {  	s6 =	sshll.u32 @!p0 s1, $0xE  }
0xb0: {  	s6 =	sor.u32 @!p0 $0x4000, s6;
	s5 =	simm.s32 @!p0 $0x1B8D  }
0xb1: {  	s4 =	sshll.u32 @!p0 s4, $0x11;
	s6 =	sadd.s32 @!p0 $0x11B8D, s6;
	_ =	swait.eq @!p0 [sflag:s5], $0x1  }
0xb2: {  	s4 =	sor.u32 @!p0 s4, s6;
	[sflag:s5] =	ssyncadd.s32 @!p0 $0xFFFFFFFF  }
0xb3: {  	s25 =	simm.s32 $0x1B8E;
	s24 =	sld [smem:$0x3FFE];
	[sflag:s4] =	ssyncadd.remote.s32 @!p0 $0x1  }
0xb4: {  	s26 =	simm.s32 $execute0_lowered;
	[smem:$0x3FD2] =	sst s25  }
0xb5: {  	s5 =	sshll.u32 s26, $0x1;
	_ =	strace $0x80000049;
	[dreg:$0x1] =	wrdreg $0xFFFFFFFF  }
0xb6: {  	s28 =	simm.s32 $_size_execute0_lowered;
	s3 =	sadd.s32 s3, s5;
	[dreg:$0x0] =	wrdreg $0x0  }
0xb7: {  	s5 =	sshll.u32 s28, $0x1;
	[dreg:$0x2] =	wrdreg s3  }
0xb8: {  	[dreg:$0x3] =	wrdreg s5  }
0xb9: {  	[dreg:$0x4] =	wrdreg $0xC0  }
0xba: {  	_ =	task [dreg:s22], $0x5FFFF  }
0xbb: {  	[dreg:$0x1] =	wrdreg $0xFFFFFFFF  }
0xbc: {  	[dreg:$0x0] =	wrdreg $0x60  }
0xbd: {  	[dreg:$0x2] =	wrdreg s24  }
0xbe: {  	[dreg:$0x3] =	wrdreg $0xA  }
0xbf: {  	_ =	task.clear_ibuf [dreg:s22], $0x4FFFF;
	_ =	strace $0x90000049  }
0xc0: {  	s29 =	simm.s32 $0xA;
	_ =	strace $0x8000004B  }
0xc1: {  	_ =	swait.ge [sflag:s29], $0x1  }
0xc2: {  	[sflag:s29] =	ssyncadd.s32 $0xFFFFFFFF  }
0xc3: {  	_ =	strace $0x9000004B  }
0xc4: {  	_ =	sfence  }
0xc5: {  	s30 =	sld [smem:$0x0];
	_ =	sdelay $0x2  }
0xc6: {  	s31 =	sshll.u32 s1, $0xD;
	s1 =	sshrl.u32 s1, $0x2  }
0xc7: {  	s4 =	sand.u32 $0x4000, s31;
	s1 =	sadd.s32 s1, s30  }
0xc8: {  	s0 =	sor.u32 s4, s0;
	s1 =	sshll.u32 s1, $0x11  }
0xc9: {  	s0 =	sor.u32 s1, s0  }
0xca: {  	s0 =	sadd.s32 $0x8F2B, s0  }
0xcb: {  	[sflag:s0] =	ssyncadd.remote.s32 $0x1  }
0xcc: {  	_ =	sfence.sel $0xFFFF  }
0xcd: {  	[dreg:$0x0] =	wrdreg $0xFFFFFFFF;
	(pc) =	sbr.abs _section_cstart, $3  }
0xce: {  	[dreg:$0x1] =	wrdreg $0xFFFFFFFF  }
0xcf: {  	_ =	task.clear_ibuf [dreg:s22], $0x2FFFF;
	_ =	strace $0x9FFFFFFF  }
0xd0: {  	(tm) =	ssettm $0x7FFFFFFF  }
0xd1: {  	_ =	shalt  }
tec
execute0_lowered:
.L_overlay_start_1:
0x0: {  	(tag) =	ssettag $0x1  }
0x1: {  	s1 =	srdreg.scid  }
0x2: {  	s0 =	stileid.u32;
	s4 =	rddreg [dreg:$0x0];
	s2 =	simm.s32 $0x0  }
0x3: {  	s31 =	simm.s32 $0x1E00;
	s10 =	simm.s32 $0x2200;
	s9 =	simm.s32 $0x1A00  }
0x4: {  	s11 =	simm.s32 $0x2A00;
	s12 =	simm.s32 $0x2E00;
	s13 =	simm.s32 $0x3200  }
0x5: {  	s14 =	simm.s32 $0x3600;
	s15 =	simm.s32 $0x3A00;
	s16 =	simm.s32 $0x3E00  }
0x6: {  	s17 =	simm.s32 $0x4200;
	s18 =	simm.s32 $0x4600;
	s19 =	simm.s32 $0x4A00  }
0x7: {  	s20 =	simm.s32 $0x1;
	s5 =	sand.u32 $0x1, s1;
	s1 =	rddreg [dreg:$0x1]  }
0x8: {  	s21 =	simm.s32 $0x0;
	s3 =	sshll.u32 s0, $0x1;
	[smem:$0x7FF] =	sst s2  }
0x9: {  	s7 =	smul.u32 $0x3400, s0;
	s3 =	sor.u32 s5, s3;
	_ =	strace $0x8000004A  }
0xa: {  	s8 =	ssub.s32 $0x2, s5;
	s5 =	smul.u32 $0x1A00, s5;
	[dreg:$0x2] =	wrdreg s31  }
0xb: {  	[dreg:$0x3] =	wrdreg s10;
	s10 =	simm.s32 $0x2600;
	s6 =	smul.u32 $0x1A00, s3  }
0xc: {  	s3 =	sadd.s32 $0x10600, s4;
	s7 =	sadd.s32 s7, s4;
	s29 =	sshrl.u32 s8, $0x1  }
0xd: {  	s8 =	ssub.s32 s8, s29;
	s30 =	sadd.s32 s5, s7;
	s6 =	sshrl.u32 s6, $0x3  }
0xe: {  	s7 =	simm.s32 $0x2;
	s5 =	smax.u32 s8, $0x1;
	s6 =	sadd.s32 s6, s4  }
0xf: {  	s8 =	simm.s32 $0x80;
	s4 =	sadd.s32 $0x1E00, s6;
	s6 =	sadd.s32 $0x351A00, s30  }
.LBB2_1:
0x10: {  	[tilespmem:s2], [sflag:$0x2] =	stream.linear.gather [hbm4b:s4+s2], $0x1A00, $0x38;
	[tilespmem:$0x4E00] =	vst v63  }
0x11: {  	_ =	swait.ge [sflag:s7], $0x1A00  }
0x12: {  	[sflag:s7] =	ssyncset.done $0x0  }
0x13: {  	s22 =	simm.s32 $0x0;
	[sflag:s7] =	ssyncadd.s32 $0xFFFFE600  }
0x14: {  	[tilespmem:s9], [sflag:$0x1] =	stream.indirect.gather [hbm4b:s3+s8], $0x8, s22, s8, $0xb8;
	[tilespmem:$0x4E00] =	vst v63  }
0x15: {  	s28 =	simm.s32 $0x80;
	s23 =	rddreg [dreg:$0x2]  }
0x16: {  	[tilespmem:s23], [sflag:$0x1] =	stream.indirect.gather [hbm4b:s3+s8], $0x8, s28, s8, $0xb8;
	[tilespmem:$0x4E00] =	vst v63  }
0x17: {  	s29 =	simm.s32 $0x100;
	s24 =	rddreg [dreg:$0x3]  }
0x18: {  	[tilespmem:s24], [sflag:$0x1] =	stream.indirect.gather [hbm4b:s3+s8], $0x8, s29, s8, $0xb8;
	[tilespmem:$0x4E00] =	vst v63  }
0x19: {  	s30 =	simm.s32 $0x180  }
0x1a: {  	[tilespmem:s10], [sflag:$0x1] =	stream.indirect.gather [hbm4b:s3+s8], $0x8, s30, s8, $0xb8;
	[tilespmem:$0x4E00] =	vst v63  }
0x1b: {  	s31 =	simm.s32 $0x200  }
0x1c: {  	[tilespmem:s11], [sflag:$0x1] =	stream.indirect.gather [hbm4b:s3+s8], $0x8, s31, s8, $0xb8;
	[tilespmem:$0x4E00] =	vst v63  }
0x1d: {  	s23 =	simm.s32 $0x280  }
0x1e: {  	[tilespmem:s12], [sflag:$0x1] =	stream.indirect.gather [hbm4b:s3+s8], $0x8, s23, s8, $0xb8;
	[tilespmem:$0x4E00] =	vst v63  }
0x1f: {  	s24 =	simm.s32 $0x300  }
0x20: {  	[tilespmem:s13], [sflag:$0x1] =	stream.indirect.gather [hbm4b:s3+s8], $0x8, s24, s8, $0xb8;
	[tilespmem:$0x4E00] =	vst v63  }
0x21: {  	s25 =	simm.s32 $0x380  }
0x22: {  	[tilespmem:s14], [sflag:$0x1] =	stream.indirect.gather [hbm4b:s3+s8], $0x8, s25, s8, $0xb8;
	[tilespmem:$0x4E00] =	vst v63  }
0x23: {  	s26 =	simm.s32 $0x400  }
0x24: {  	[tilespmem:s15], [sflag:$0x1] =	stream.indirect.gather [hbm4b:s3+s8], $0x8, s26, s8, $0xb8;
	[tilespmem:$0x4E00] =	vst v63  }
0x25: {  	s28 =	simm.s32 $0x480  }
0x26: {  	[tilespmem:s16], [sflag:$0x1] =	stream.indirect.gather [hbm4b:s3+s8], $0x8, s28, s8, $0xb8;
	[tilespmem:$0x4E00] =	vst v63  }
0x27: {  	s29 =	simm.s32 $0x500  }
0x28: {  	[tilespmem:s17], [sflag:$0x1] =	stream.indirect.gather [hbm4b:s3+s8], $0x8, s29, s8, $0xb8;
	[tilespmem:$0x4E00] =	vst v63  }
0x29: {  	s30 =	simm.s32 $0x580  }
0x2a: {  	[tilespmem:s18], [sflag:$0x1] =	stream.indirect.gather [hbm4b:s3+s8], $0x8, s30, s8, $0xb8;
	[tilespmem:$0x4E00] =	vst v63  }
0x2b: {  	s31 =	simm.s32 $0x600  }
0x2c: {  	[tilespmem:s19], [sflag:$0x1] =	stream.indirect.gather [hbm4b:s3+s8], $0x8, s31, s8, $0xb8;
	[tilespmem:$0x4E00] =	vst v63  }
0x2d: {  	_ =	swait.ge [sflag:s20], $0x400  }
0x2e: {  	[sflag:s20] =	ssyncset.done $0x0  }
0x2f: {  	[sflag:s20] =	ssyncadd.s32 $0xFFFFFC00  }
0x30: {  	_ =	swait.ge [sflag:s20], $0x400  }
0x31: {  	[sflag:s20] =	ssyncset.done $0x0  }
0x32: {  	[sflag:s20] =	ssyncadd.s32 $0xFFFFFC00  }
0x33: {  	_ =	swait.ge [sflag:s20], $0x400  }
0x34: {  	[sflag:s20] =	ssyncset.done $0x0  }
0x35: {  	[sflag:s20] =	ssyncadd.s32 $0xFFFFFC00  }
0x36: {  	_ =	swait.ge [sflag:s20], $0x400  }
0x37: {  	[sflag:s20] =	ssyncset.done $0x0  }
0x38: {  	[sflag:s20] =	ssyncadd.s32 $0xFFFFFC00  }
0x39: {  	_ =	swait.ge [sflag:s20], $0x400  }
0x3a: {  	[sflag:s20] =	ssyncset.done $0x0  }
0x3b: {  	[sflag:s20] =	ssyncadd.s32 $0xFFFFFC00  }
0x3c: {  	_ =	swait.ge [sflag:s20], $0x400  }
0x3d: {  	[sflag:s20] =	ssyncset.done $0x0  }
0x3e: {  	[sflag:s20] =	ssyncadd.s32 $0xFFFFFC00  }
0x3f: {  	_ =	swait.ge [sflag:s20], $0x400  }
0x40: {  	[sflag:s20] =	ssyncset.done $0x0  }
0x41: {  	[sflag:s20] =	ssyncadd.s32 $0xFFFFFC00  }
0x42: {  	_ =	swait.ge [sflag:s20], $0x400  }
0x43: {  	[sflag:s20] =	ssyncset.done $0x0  }
0x44: {  	[sflag:s20] =	ssyncadd.s32 $0xFFFFFC00  }
0x45: {  	_ =	swait.ge [sflag:s20], $0x400  }
0x46: {  	[sflag:s20] =	ssyncset.done $0x0  }
0x47: {  	[sflag:s20] =	ssyncadd.s32 $0xFFFFFC00  }
0x48: {  	_ =	swait.ge [sflag:s20], $0x400  }
0x49: {  	[sflag:s20] =	ssyncset.done $0x0  }
0x4a: {  	[sflag:s20] =	ssyncadd.s32 $0xFFFFFC00  }
0x4b: {  	_ =	swait.ge [sflag:s20], $0x400  }
0x4c: {  	[sflag:s20] =	ssyncset.done $0x0  }
0x4d: {  	[sflag:s20] =	ssyncadd.s32 $0xFFFFFC00  }
0x4e: {  	_ =	swait.ge [sflag:s20], $0x400  }
0x4f: {  	[sflag:s20] =	ssyncset.done $0x0  }
0x50: {  	[sflag:s20] =	ssyncadd.s32 $0xFFFFFC00  }
0x51: {  	_ =	swait.ge [sflag:s20], $0x400  }
0x52: {  	[sflag:s20] =	ssyncset.done $0x0  }
0x53: {  	[sflag:s20] =	ssyncadd.s32 $0xFFFFFC00  }
0x54: {  	[hbm4b:s6+s2] =	stream.linear.scatter [tilespmem:s9], [sflag:$0x2], $0x3400, $0x38;
	[tilespmem:$0x4E00] =	vst v63  }
0x55: {  	s22 =	sadd.s32 $0x680, s6;
	_ =	swait.ge [sflag:s7], $0x3400  }
0x56: {  	s23 =	simm.s32 $0x1A00;
	s25 =	simm.s32 $0x3400;
	[sflag:s7] =	ssyncset.done $0x0  }
.LBB2_2:
0x57: {  	s26 =	sshra.s32 s23, $0x2;
	[sflag:s7] =	ssyncadd.s32 $0xFFFFCC00  }
0x58: {  	[tilespmem:s9], [sflag:$0x1] =	stream.indirect.gather [hbm4b:s3+s8], $0x8, s26, s8, $0xb8;
	[tilespmem:$0x4E00] =	vst v63  }
0x59: {  	s28 =	rddreg [dreg:$0x2];
	s29 =	sadd.s32 $0x80, s26  }
0x5a: {  	[tilespmem:s28], [sflag:$0x1] =	stream.indirect.gather [hbm4b:s3+s8], $0x8, s29, s8, $0xb8;
	[tilespmem:$0x4E00] =	vst v63  }
0x5b: {  	s30 =	rddreg [dreg:$0x3];
	s29 =	sadd.s32 $0x100, s26  }
0x5c: {  	[tilespmem:s30], [sflag:$0x1] =	stream.indirect.gather [hbm4b:s3+s8], $0x8, s29, s8, $0xb8;
	[tilespmem:$0x4E00] =	vst v63  }
0x5d: {  	s30 =	sadd.s32 $0x180, s26  }
0x5e: {  	[tilespmem:s10], [sflag:$0x1] =	stream.indirect.gather [hbm4b:s3+s8], $0x8, s30, s8, $0xb8;
	[tilespmem:$0x4E00] =	vst v63  }
0x5f: {  	s31 =	sadd.s32 $0x200, s26  }
0x60: {  	[tilespmem:s11], [sflag:$0x1] =	stream.indirect.gather [hbm4b:s3+s8], $0x8, s31, s8, $0xb8;
	[tilespmem:$0x4E00] =	vst v63  }
0x61: {  	s28 =	sadd.s32 $0x280, s26  }
0x62: {  	[tilespmem:s12], [sflag:$0x1] =	stream.indirect.gather [hbm4b:s3+s8], $0x8, s28, s8, $0xb8;
	[tilespmem:$0x4E00] =	vst v63  }
0x63: {  	s29 =	sadd.s32 $0x300, s26  }
0x64: {  	[tilespmem:s13], [sflag:$0x1] =	stream.indirect.gather [hbm4b:s3+s8], $0x8, s29, s8, $0xb8;
	[tilespmem:$0x4E00] =	vst v63  }
0x65: {  	s30 =	sadd.s32 $0x380, s26  }
0x66: {  	[tilespmem:s14], [sflag:$0x1] =	stream.indirect.gather [hbm4b:s3+s8], $0x8, s30, s8, $0xb8;
	[tilespmem:$0x4E00] =	vst v63  }
0x67: {  	s31 =	sadd.s32 $0x400, s26  }
0x68: {  	[tilespmem:s15], [sflag:$0x1] =	stream.indirect.gather [hbm4b:s3+s8], $0x8, s31, s8, $0xb8;
	[tilespmem:$0x4E00] =	vst v63  }
0x69: {  	s28 =	sadd.s32 $0x480, s26  }
0x6a: {  	[tilespmem:s16], [sflag:$0x1] =	stream.indirect.gather [hbm4b:s3+s8], $0x8, s28, s8, $0xb8;
	[tilespmem:$0x4E00] =	vst v63  }
0x6b: {  	s29 =	sadd.s32 $0x500, s26  }
0x6c: {  	[tilespmem:s17], [sflag:$0x1] =	stream.indirect.gather [hbm4b:s3+s8], $0x8, s29, s8, $0xb8;
	[tilespmem:$0x4E00] =	vst v63  }
0x6d: {  	s30 =	sadd.s32 $0x580, s26  }
0x6e: {  	[tilespmem:s18], [sflag:$0x1] =	stream.indirect.gather [hbm4b:s3+s8], $0x8, s30, s8, $0xb8;
	[tilespmem:$0x4E00] =	vst v63  }
0x6f: {  	s31 =	sadd.s32 $0x600, s26  }
0x70: {  	[tilespmem:s19], [sflag:$0x1] =	stream.indirect.gather [hbm4b:s3+s8], $0x8, s31, s8, $0xb8;
	[tilespmem:$0x4E00] =	vst v63  }
0x71: {  	_ =	swait.ge [sflag:s20], $0x400  }
0x72: {  	[sflag:s20] =	ssyncset.done $0x0  }
0x73: {  	[sflag:s20] =	ssyncadd.s32 $0xFFFFFC00  }
0x74: {  	_ =	swait.ge [sflag:s20], $0x400  }
0x75: {  	[sflag:s20] =	ssyncset.done $0x0  }
0x76: {  	[sflag:s20] =	ssyncadd.s32 $0xFFFFFC00  }
0x77: {  	_ =	swait.ge [sflag:s20], $0x400  }
0x78: {  	[sflag:s20] =	ssyncset.done $0x0  }
0x79: {  	[sflag:s20] =	ssyncadd.s32 $0xFFFFFC00  }
0x7a: {  	_ =	swait.ge [sflag:s20], $0x400  }
0x7b: {  	[sflag:s20] =	ssyncset.done $0x0  }
0x7c: {  	[sflag:s20] =	ssyncadd.s32 $0xFFFFFC00  }
0x7d: {  	_ =	swait.ge [sflag:s20], $0x400  }
0x7e: {  	[sflag:s20] =	ssyncset.done $0x0  }
0x7f: {  	[sflag:s20] =	ssyncadd.s32 $0xFFFFFC00  }
0x80: {  	_ =	swait.ge [sflag:s20], $0x400  }
0x81: {  	[sflag:s20] =	ssyncset.done $0x0  }
0x82: {  	[sflag:s20] =	ssyncadd.s32 $0xFFFFFC00  }
0x83: {  	_ =	swait.ge [sflag:s20], $0x400  }
0x84: {  	[sflag:s20] =	ssyncset.done $0x0  }
0x85: {  	[sflag:s20] =	ssyncadd.s32 $0xFFFFFC00  }
0x86: {  	_ =	swait.ge [sflag:s20], $0x400  }
0x87: {  	[sflag:s20] =	ssyncset.done $0x0  }
0x88: {  	[sflag:s20] =	ssyncadd.s32 $0xFFFFFC00  }
0x89: {  	_ =	swait.ge [sflag:s20], $0x400  }
0x8a: {  	[sflag:s20] =	ssyncset.done $0x0  }
0x8b: {  	[sflag:s20] =	ssyncadd.s32 $0xFFFFFC00  }
0x8c: {  	_ =	swait.ge [sflag:s20], $0x400  }
0x8d: {  	[sflag:s20] =	ssyncset.done $0x0  }
0x8e: {  	[sflag:s20] =	ssyncadd.s32 $0xFFFFFC00  }
0x8f: {  	_ =	swait.ge [sflag:s20], $0x400  }
0x90: {  	[sflag:s20] =	ssyncset.done $0x0  }
0x91: {  	[sflag:s20] =	ssyncadd.s32 $0xFFFFFC00  }
0x92: {  	_ =	swait.ge [sflag:s20], $0x400  }
0x93: {  	[sflag:s20] =	ssyncset.done $0x0  }
0x94: {  	[sflag:s20] =	ssyncadd.s32 $0xFFFFFC00  }
0x95: {  	p0 =	sne.s32 s25, $0x4E00;
	_ =	swait.ge [sflag:s20], $0x400  }
.Ltmp0:
0x96: {  	[sflag:s20] =	ssyncset.done $0x0;
	(pc) =	sbr.rel @p0 .LBB2_2-.Ltmp0, $4  }
0x97: {  	[sflag:s20] =	ssyncadd.s32 $0xFFFFFC00  }
0x98: {  	[hbm4b:s22+s2] =	stream.linear.scatter [tilespmem:s9], [sflag:$0x2], $0x3400, $0x38;
	[tilespmem:$0x4E00] =	vst v63  }
0x99: {  	s23 =	smov.u32 s25;
	s24 =	sadd.s32 $0x1A00, s25;
	_ =	swait.ge [sflag:s7], $0x3400  }
0x9a: {  	s25 =	smov.u32 s24;
	s22 =	sadd.s32 $0x680, s22;
	[sflag:s7] =	ssyncset.done $0x0  }
0x9b: {  	s23 =	sshra.s32 s23, $0x2;
	[sflag:s7] =	ssyncadd.s32 $0xFFFFCC00  }
0x9c: {  	[tilespmem:s9], [sflag:$0x1] =	stream.indirect.gather [hbm4b:s3+s8], $0x8, s23, s8, $0xb8;
	[tilespmem:$0x4E00] =	vst v63  }
0x9d: {  	s24 =	rddreg [dreg:$0x2];
	s25 =	sadd.s32 $0x80, s23  }
0x9e: {  	[tilespmem:s24], [sflag:$0x1] =	stream.indirect.gather [hbm4b:s3+s8], $0x8, s25, s8, $0xb8;
	[tilespmem:$0x4E00] =	vst v63  }
0x9f: {  	s26 =	rddreg [dreg:$0x3];
	s28 =	sadd.s32 $0x100, s23  }
0xa0: {  	[tilespmem:s26], [sflag:$0x1] =	stream.indirect.gather [hbm4b:s3+s8], $0x8, s28, s8, $0xb8;
	[tilespmem:$0x4E00] =	vst v63  }
0xa1: {  	s29 =	sadd.s32 $0x180, s23  }
0xa2: {  	[tilespmem:s10], [sflag:$0x1] =	stream.indirect.gather [hbm4b:s3+s8], $0x8, s29, s8, $0xb8;
	[tilespmem:$0x4E00] =	vst v63  }
0xa3: {  	s30 =	sadd.s32 $0x200, s23  }
0xa4: {  	[tilespmem:s11], [sflag:$0x1] =	stream.indirect.gather [hbm4b:s3+s8], $0x8, s30, s8, $0xb8;
	[tilespmem:$0x4E00] =	vst v63  }
0xa5: {  	s31 =	sadd.s32 $0x280, s23  }
0xa6: {  	[tilespmem:s12], [sflag:$0x1] =	stream.indirect.gather [hbm4b:s3+s8], $0x8, s31, s8, $0xb8;
	[tilespmem:$0x4E00] =	vst v63  }
0xa7: {  	s25 =	sadd.s32 $0x300, s23  }
0xa8: {  	[tilespmem:s13], [sflag:$0x1] =	stream.indirect.gather [hbm4b:s3+s8], $0x8, s25, s8, $0xb8;
	[tilespmem:$0x4E00] =	vst v63  }
0xa9: {  	s26 =	sadd.s32 $0x380, s23  }
0xaa: {  	[tilespmem:s14], [sflag:$0x1] =	stream.indirect.gather [hbm4b:s3+s8], $0x8, s26, s8, $0xb8;
	[tilespmem:$0x4E00] =	vst v63  }
0xab: {  	s28 =	sadd.s32 $0x400, s23  }
0xac: {  	[tilespmem:s15], [sflag:$0x1] =	stream.indirect.gather [hbm4b:s3+s8], $0x8, s28, s8, $0xb8;
	[tilespmem:$0x4E00] =	vst v63  }
0xad: {  	s29 =	sadd.s32 $0x480, s23  }
0xae: {  	[tilespmem:s16], [sflag:$0x1] =	stream.indirect.gather [hbm4b:s3+s8], $0x8, s29, s8, $0xb8;
	[tilespmem:$0x4E00] =	vst v63  }
0xaf: {  	s30 =	sadd.s32 $0x500, s23  }
0xb0: {  	[tilespmem:s17], [sflag:$0x1] =	stream.indirect.gather [hbm4b:s3+s8], $0x8, s30, s8, $0xb8;
	[tilespmem:$0x4E00] =	vst v63  }
0xb1: {  	s31 =	sadd.s32 $0x580, s23  }
0xb2: {  	[tilespmem:s18], [sflag:$0x1] =	stream.indirect.gather [hbm4b:s3+s8], $0x8, s31, s8, $0xb8;
	[tilespmem:$0x4E00] =	vst v63  }
0xb3: {  	s23 =	sadd.s32 $0x600, s23  }
0xb4: {  	[tilespmem:s19], [sflag:$0x1] =	stream.indirect.gather [hbm4b:s3+s8], $0x8, s23, s8, $0xb8;
	[tilespmem:$0x4E00] =	vst v63  }
0xb5: {  	_ =	swait.ge [sflag:s20], $0x400  }
0xb6: {  	[sflag:s20] =	ssyncset.done $0x0  }
0xb7: {  	[sflag:s20] =	ssyncadd.s32 $0xFFFFFC00  }
0xb8: {  	_ =	swait.ge [sflag:s20], $0x400  }
0xb9: {  	[sflag:s20] =	ssyncset.done $0x0  }
0xba: {  	[sflag:s20] =	ssyncadd.s32 $0xFFFFFC00  }
0xbb: {  	_ =	swait.ge [sflag:s20], $0x400  }
0xbc: {  	[sflag:s20] =	ssyncset.done $0x0  }
0xbd: {  	[sflag:s20] =	ssyncadd.s32 $0xFFFFFC00  }
0xbe: {  	_ =	swait.ge [sflag:s20], $0x400  }
0xbf: {  	[sflag:s20] =	ssyncset.done $0x0  }
0xc0: {  	[sflag:s20] =	ssyncadd.s32 $0xFFFFFC00  }
0xc1: {  	_ =	swait.ge [sflag:s20], $0x400  }
0xc2: {  	[sflag:s20] =	ssyncset.done $0x0  }
0xc3: {  	[sflag:s20] =	ssyncadd.s32 $0xFFFFFC00  }
0xc4: {  	_ =	swait.ge [sflag:s20], $0x400  }
0xc5: {  	[sflag:s20] =	ssyncset.done $0x0  }
0xc6: {  	[sflag:s20] =	ssyncadd.s32 $0xFFFFFC00  }
0xc7: {  	_ =	swait.ge [sflag:s20], $0x400  }
0xc8: {  	[sflag:s20] =	ssyncset.done $0x0  }
0xc9: {  	[sflag:s20] =	ssyncadd.s32 $0xFFFFFC00  }
0xca: {  	_ =	swait.ge [sflag:s20], $0x400  }
0xcb: {  	[sflag:s20] =	ssyncset.done $0x0  }
0xcc: {  	[sflag:s20] =	ssyncadd.s32 $0xFFFFFC00  }
0xcd: {  	_ =	swait.ge [sflag:s20], $0x400  }
0xce: {  	[sflag:s20] =	ssyncset.done $0x0  }
0xcf: {  	[sflag:s20] =	ssyncadd.s32 $0xFFFFFC00  }
0xd0: {  	_ =	swait.ge [sflag:s20], $0x400  }
0xd1: {  	[sflag:s20] =	ssyncset.done $0x0  }
0xd2: {  	[sflag:s20] =	ssyncadd.s32 $0xFFFFFC00  }
0xd3: {  	_ =	swait.ge [sflag:s20], $0x400  }
0xd4: {  	[sflag:s20] =	ssyncset.done $0x0  }
0xd5: {  	[sflag:s20] =	ssyncadd.s32 $0xFFFFFC00  }
0xd6: {  	_ =	swait.ge [sflag:s20], $0x400  }
0xd7: {  	[sflag:s20] =	ssyncset.done $0x0  }
0xd8: {  	[sflag:s20] =	ssyncadd.s32 $0xFFFFFC00  }
0xd9: {  	s21 =	sadd.s32 $0x1, s21;
	_ =	swait.ge [sflag:s20], $0x400  }
0xda: {  	p0 =	sne.s32 s21, s5;
	[sflag:s20] =	ssyncset.done $0x0  }
.Ltmp1:
0xdb: {  	[sflag:s20] =	ssyncadd.s32 $0xFFFFFC00;
	(pc) =	sbr.rel @p0 .LBB2_1-.Ltmp1, $4  }
0xdc: {  	[hbm4b:s22+s2] =	stream.linear.scatter [tilespmem:s9], [sflag:$0x2], $0x3400, $0x38;
	[tilespmem:$0x4E00] =	vst v63  }
0xdd: {  	_ =	swait.ge [sflag:s7], $0x3400  }
0xde: {  	[sflag:s7] =	ssyncset.done $0x0  }
0xdf: {  	[sflag:s7] =	ssyncadd.s32 $0xFFFFCC00  }
0xe0: {  	_ =	sfence.sel $0x180000  }
0xe1: {  	[bflag:$0x0] =	sbarrier.arrive $0xFFFF  }
0xe2: {  	p0 =	sne.s32 s0, $0x0;
	_ =	strace $0x9000004A  }
0xe3: {  	s0 =	sadd.s32 @!p0 $0x100000, s1;
	[bflag:$0x2] =	sbarrier.arrive $0xFFFF  }
0xe4: {  	[sflag:s0] =	ssyncadd.tile.s32 @!p0 $0x1;
	_ =	shalt  }
.Lfunc_end2:
_tile_overlayer_lowered:
.L_overlay_start_2:
0xe5: {  	(tag) =	ssettag $0x2  }
0xe6: {  	s0 =	rddreg [dreg:$0x0];
	s2 =	stileid.u32  }
0xe7: {  	s1 =	rddreg [dreg:$0x1];
	p0 =	sne.s32 s2, $0x0  }
0xe8: {  	s3 =	rddreg [dreg:$0x2];
	[bflag:$0x3] =	sbarrier.arrive $0xFFFF;
	s2 =	simm.s32 @!p0 $0x1C02  }
0xe9: {  	[timem:s3], [sflag:s2] =	dma.local @!p0 [hbm:s0], s1  }
0xea: {  	s0 =	simm.s32 @!p0 $0x2  }
0xeb: {  	_ =	swait.ge @!p0 [sflag:s0], s1  }
0xec: {  	s1 =	ssub.s32 @!p0 $0x0, s1;
	[sflag:s0] =	ssyncset.done @!p0 $0x0  }
0xed: {  	[sflag:s0] =	ssyncadd.s32 @!p0 s1  }
0xee: {  	[bflag:$0x3] =	sbarrier.arrive $0xFFFF  }
0xef: {  	_ =	shalt  }

// kernel: kernel.7.cloned.1.call-start
scs
__scs_entry_jumppad:
0x0: {  	(pc) =	sbr.rel $0x88, $3  }
0x1: {  	(tag) =	ssettag $0x0;
	lr =	simm.s32 $0x1  }
0x2: {  	[smem:$0x3F99] =	sst lr;
	_ =	strace $0xD0000000  }
0x3: {  	_ = 	snop  }
0x4: {  	_ = 	snop  }
0x5: {  	_ = 	snop  }
0x6: {  	_ = 	snop  }
0x7: {  	_ = 	snop  }
__scs_overlays_trampoline_lowered:
0x8: {  	[smem:$0x3FA8] =	sst s0  }
0x9: {  	[smem:$0x3FA9] =	sst s1  }
0xa: {  	[smem:$0x3FAA] =	sst s2  }
0xb: {  	[smem:$0x3FAB] =	sst s3  }
0xc: {  	[smem:$0x3FAC] =	sst s4  }
0xd: {  	[smem:$0x3FAD] =	sst s5  }
0xe: {  	[smem:$0x3FAE] =	sst s6  }
0xf: {  	[smem:$0x3FAF] =	sst s7  }
0x10: {  	[smem:$0x3FB0] =	sst s8  }
0x11: {  	[smem:$0x3FB1] =	sst s9;
	s0 =	simm.s32 @!p0 $0x0  }
0x12: {  	s1 =	sld [smem:$0x3F97];
	s0 =	simm.s32 @p0 $0x1  }
0x13: {  	[smem:$0x3FB2] =	sst s0;
	s0 =	simm.s32 @!p1 $0x0  }
0x14: {  	s2 =	sld [smem:$0x3F96];
	s0 =	simm.s32 @p1 $0x1  }
0x15: {  	[smem:$0x3FB3] =	sst s0;
	s0 =	simm.s32 @!p2 $0x0  }
0x16: {  	s3 =	sld [smem:$0x3FDB];
	s0 =	simm.s32 @p2 $0x1  }
0x17: {  	s4 =	simm.s32 $0x1BF5;
	[smem:$0x3FB5] =	sst s0  }
0x18: {  	s0 =	sld [smem:$0x3F98];
	_ =	swait.ge [sflag:s4], $0x0  }
0x19: {  	s7 =	sld [smem:$0x3F99]  }
0x1a: {  	s8 =	sadd.s32 $0xFFFFE003, lr  }
0x1b: {  	s9 =	sadd.s32 $0xFFFFFEF7, lr;
	s5 =	simm.s32 $0xFFFFFFFF;
	p2 =	slt.u32 s8, $0xFFFFF086  }
0x1c: {  	p1 =	slt.u32 s9, $0xF7A;
	s5 =	simm.s32 @!p2 $0x0  }
0x1d: {  	s5 =	simm.s32 @p1 $0x1;
	p0 =	seq.s32 s7, s2  }
0x1e: {  	s7 =	smul.u32 @!p0 $0xF7A, s2;
	p2 =	seq.s32 @!p0 s5, $0x0  }
0x1f: {  	s9 =	smul.u32 $0xF7A, s1;
	s8 =	simm.s32 @!p0 $0x1BF5;
	p2 =	por !p2, p0  }
0x20: {  	[sflag:s8] =	ssyncset.s32 @!p0 $0xFFFFF086;
	s6 =	sadd.s32 @!p0 s3, s7;
	s7 =	simm.s32 @!p0 $0x108  }
0x21: {  	s3 =	sadd.s32 s3, s9;
	s6 =	sadd.s32 @!p0 $0x88, s6;
	s7 =	simm.s32 @p2 $0x1082  }
0x22: {  	[simem:s7], [sflag:s8] =	dma.local @!p0 [hbm:s6], $0xF7A  }
0x23: {  	s9 =	sor.u32 $0xD0000000, s2;
	s6 =	simm.s32 $0x108;
	_ =	swait.ge @!p0 [sflag:s8], $0x0  }
0x24: {  	s3 =	sadd.s32 $0x88, s3;
	s6 =	simm.s32 @!p1 $0x1082;
	[sflag:s4] =	ssyncset.s32 $0xFFFFF086  }
0x25: {  	[simem:s6], [sflag:s4] =	dma.local [hbm:s3], $0xF7A  }
0x26: {  	[smem:$0x3F99] =	sst s1;
	(tag) =	ssettag s2;
	_ =	strace s9  }
0x27: {  	s1 =	sld [smem:$0x3FA9]  }
0x28: {  	s2 =	sld [smem:$0x3FAA]  }
0x29: {  	s4 =	sld [smem:$0x3FAC]  }
0x2a: {  	p0 =	seq.s32 s5, $0x0;
	s5 =	sld [smem:$0x3FAD]  }
0x2b: {  	s6 =	sld [smem:$0x3FAE]  }
0x2c: {  	s7 =	sld [smem:$0x3FAF]  }
0x2d: {  	s3 =	simm.s32 $0x108;
	s8 =	sld [smem:$0x3FB0]  }
0x2e: {  	s3 =	simm.s32 @!p0 $0x1082;
	s9 =	sld [smem:$0x3FB1]  }
0x2f: {  	lr =	sadd.s32 s0, s3;
	s0 =	sld [smem:$0x3FA8]  }
0x30: {  	s3 =	sld [smem:$0x3FAB]  }
0x31: {  	[smem:$0x3FB4] =	sst s10  }
0x32: {  	s10 =	sld [smem:$0x3FB2];
	_ =	sdelay $0x3  }
0x33: {  	p0 =	seq.s32 s10, $0x1;
	s10 =	sld [smem:$0x3FB4];
	_ =	sdelay $0x3  }
0x34: {  	[smem:$0x3FB4] =	sst s10  }
0x35: {  	s10 =	sld [smem:$0x3FB3];
	_ =	sdelay $0x3  }
0x36: {  	p1 =	seq.s32 s10, $0x1;
	s10 =	sld [smem:$0x3FB4];
	_ =	sdelay $0x3  }
0x37: {  	[smem:$0x3FB4] =	sst s10  }
0x38: {  	s10 =	sld [smem:$0x3FB5]  }
0x39: {  	_ = 	snop;
	(pc) =	sbr.ind lr, $3  }
0x3a: {  	_ = 	snop  }
0x3b: {  	_ = 	snop  }
0x3c: {  	p2 =	seq.s32 s10, $0x1;
	s10 =	sld [smem:$0x3FB4]  }
0x3d: {  	_ =	shalt  }
0x3e: {  	_ =	shalt  }
0x3f: {  	_ =	shalt  }
0x40: {  	_ =	shalt  }
0x41: {  	_ =	shalt  }
0x42: {  	_ =	shalt  }
0x43: {  	_ =	shalt  }
0x44: {  	_ =	shalt  }
0x45: {  	_ =	shalt  }
0x46: {  	_ =	shalt  }
0x47: {  	_ =	shalt  }
0x48: {  	_ =	shalt  }
0x49: {  	_ =	shalt  }
0x4a: {  	_ =	shalt  }
0x4b: {  	_ =	shalt  }
0x4c: {  	_ =	shalt  }
0x4d: {  	_ =	shalt  }
0x4e: {  	_ =	shalt  }
0x4f: {  	_ =	shalt  }
0x50: {  	_ =	shalt  }
0x51: {  	_ =	shalt  }
0x52: {  	_ =	shalt  }
0x53: {  	_ =	shalt  }
0x54: {  	_ =	shalt  }
0x55: {  	_ =	shalt  }
0x56: {  	_ =	shalt  }
0x57: {  	_ =	shalt  }
0x58: {  	_ =	shalt  }
0x59: {  	_ =	shalt  }
0x5a: {  	_ =	shalt  }
0x5b: {  	_ =	shalt  }
0x5c: {  	_ =	shalt  }
0x5d: {  	_ =	shalt  }
0x5e: {  	_ =	shalt  }
0x5f: {  	_ =	shalt  }
0x60: {  	_ =	shalt  }
0x61: {  	_ =	shalt  }
0x62: {  	_ =	shalt  }
0x63: {  	_ =	shalt  }
0x64: {  	_ =	shalt  }
0x65: {  	_ =	shalt  }
0x66: {  	_ =	shalt  }
0x67: {  	_ =	shalt  }
0x68: {  	_ =	shalt  }
0x69: {  	_ =	shalt  }
0x6a: {  	_ =	shalt  }
0x6b: {  	_ =	shalt  }
0x6c: {  	_ =	shalt  }
0x6d: {  	_ =	shalt  }
0x6e: {  	_ =	shalt  }
0x6f: {  	_ =	shalt  }
0x70: {  	_ =	shalt  }
0x71: {  	_ =	shalt  }
0x72: {  	_ =	shalt  }
0x73: {  	_ =	shalt  }
0x74: {  	_ =	shalt  }
0x75: {  	_ =	shalt  }
0x76: {  	_ =	shalt  }
0x77: {  	_ =	shalt  }
0x78: {  	_ =	shalt  }
0x79: {  	_ =	shalt  }
0x7a: {  	_ =	shalt  }
0x7b: {  	_ =	shalt  }
0x7c: {  	_ =	shalt  }
0x7d: {  	_ =	shalt  }
0x7e: {  	_ =	shalt  }
0x7f: {  	_ =	shalt  }
0x80: {  	_ =	shalt  }
0x81: {  	_ =	shalt  }
0x82: {  	_ =	shalt  }
0x83: {  	_ =	shalt  }
0x84: {  	_ =	shalt  }
0x85: {  	_ =	shalt  }
0x86: {  	_ =	shalt  }
0x87: {  	_ =	shalt  }
.Lfunc_end0:
.L_simem_size_0:
called_computation_lowered:
.L_overlay_start_0:
0x88: {  	s2 =	sld [smem:$0x3FD9]  }
0x89: {  	s3 =	sld [smem:$0x3FFE];
	_ =	sdelay $0x1  }
0x8a: {  	s1 =	srdreg.scid  }
0x8b: {  	s0 =	sand.u32 $0x1, s1  }
0x8c: {  	s16 =	sshll.u32 s0, $0xA;
	s2 =	sadd.s32 s3, s2  }
0x8d: {  	s2 =	sadd.s32 s2, s16  }
0x8e: {  	[smem:$0x3FC0] =	sst s2  }
0x8f: {  	_ = 	snop  }
0x90: {  	(tm) =	ssettm $0x1  }
0x91: {  	s17 =	sld [smem:$0x3FFB];
	_ =	sdelay $0x3  }
0x92: {  	_ =	strace s17  }
0x93: {  	s2 =	sld [smem:$0x3FFC];
	_ =	sdelay $0x3  }
0x94: {  	_ =	strace s2  }
0x95: {  	s2 =	sld [smem:$0x3FFD];
	_ =	sdelay $0x3  }
0x96: {  	_ =	strace s2  }
0x97: {  	_ =	strace $0x8FFFFFFF  }
0x98: {  	s18 =	sld [smem:$0x3FDB];
	_ =	sdelay $0x1  }
0x99: {  	s19 =	simm.s32 $_scs_section_size  }
0x9a: {  	s4 =	simm.s32 $_size__tile_overlayer_lowered;
	s5 =	simm.s32 $_tile_overlayer_lowered  }
0x9b: {  	s22 =	simm.s32 $0x1BFF;
	s21 =	sshll.u32 s5, $0x1;
	s2 =	sadd.s32 s19, s18  }
0x9c: {  	s6 =	simm.s32 $0x0;
	s20 =	sshll.u32 s4, $0x1;
	s4 =	sadd.s32 s21, s2  }
0x9d: {  	[timem:s6], [sflag:s22] =	dma.local [hbm:s4], s20  }
0x9e: {  	_ =	swait.ge [sflag:s22], s20  }
0x9f: {  	s3 =	ssub.s32 $0x0, s20;
	[sflag:s22] =	ssyncset.done $0x0  }
0xa0: {  	[sflag:s22] =	ssyncadd.s32 s3;
	_ =	sdelay $0x1  }
0xa1: {  	s23 =	simm.s32 $0x1B8B  }
0xa2: {  	_ =	swait.ge [sflag:s23], $0x1  }
0xa3: {  	[sflag:s23] =	ssyncset.done $0x0  }
0xa4: {  	s25 =	simm.s32 $0x1B8E;
	s24 =	sld [smem:$0x3FFE];
	[sflag:s23] =	ssyncadd.s32 $0xFFFFFFFF  }
0xa5: {  	s26 =	simm.s32 $execute0_lowered;
	[smem:$0x3FD2] =	sst s25  }
0xa6: {  	s4 =	sshll.u32 s26, $0x1;
	_ =	strace $0x80000046;
	[dreg:$0x1] =	wrdreg $0xFFFFFFFF  }
0xa7: {  	s28 =	simm.s32 $_size_execute0_lowered;
	s2 =	sadd.s32 s2, s4;
	[dreg:$0x0] =	wrdreg $0x0  }
0xa8: {  	s4 =	sshll.u32 s28, $0x1;
	[dreg:$0x2] =	wrdreg s2  }
0xa9: {  	[dreg:$0x3] =	wrdreg s4  }
0xaa: {  	[dreg:$0x4] =	wrdreg $0xC0  }
0xab: {  	_ =	task [dreg:s6], $0x5FFFF  }
0xac: {  	[dreg:$0x1] =	wrdreg $0xFFFFFFFF  }
0xad: {  	[dreg:$0x0] =	wrdreg $0x60  }
0xae: {  	[dreg:$0x2] =	wrdreg s24  }
0xaf: {  	[dreg:$0x3] =	wrdreg $0x9  }
0xb0: {  	_ =	task.clear_ibuf [dreg:s6], $0x4FFFF;
	_ =	strace $0x90000046  }
0xb1: {  	s29 =	simm.s32 $0x9;
	_ =	strace $0x80000048  }
0xb2: {  	_ =	swait.ge [sflag:s29], $0x1  }
0xb3: {  	[sflag:s29] =	ssyncadd.s32 $0xFFFFFFFF  }
0xb4: {  	_ =	strace $0x90000048  }
0xb5: {  	_ =	sfence  }
0xb6: {  	s30 =	sld [smem:$0x0];
	_ =	sdelay $0x2  }
0xb7: {  	s31 =	sshll.u32 s1, $0xD;
	s1 =	sshrl.u32 s1, $0x2  }
0xb8: {  	s3 =	sand.u32 $0x4000, s31;
	s1 =	sadd.s32 s1, s30  }
0xb9: {  	s0 =	sor.u32 s3, s0;
	s1 =	sshll.u32 s1, $0x11  }
0xba: {  	s0 =	sor.u32 s1, s0  }
0xbb: {  	s0 =	sadd.s32 $0x8F2B, s0  }
0xbc: {  	[sflag:s0] =	ssyncadd.remote.s32 $0x1  }
0xbd: {  	_ =	sfence.sel $0xFFFF  }
0xbe: {  	[dreg:$0x0] =	wrdreg $0xFFFFFFFF;
	(pc) =	sbr.abs _section_cstart, $3  }
0xbf: {  	[dreg:$0x1] =	wrdreg $0xFFFFFFFF  }
0xc0: {  	_ =	task.clear_ibuf [dreg:s6], $0x2FFFF;
	_ =	strace $0x9FFFFFFF  }
0xc1: {  	(tm) =	ssettm $0x7FFFFFFF  }
tec
execute0_lowered:
.L_overlay_start_1:
0x0: {  	(tag) =	ssettag $0x1  }
0x1: {  	s1 =	srdreg.scid  }
0x2: {  	s0 =	stileid.u32;
	s4 =	rddreg [dreg:$0x0];
	s2 =	simm.s32 $0x0  }
0x3: {  	s31 =	simm.s32 $0x1E00;
	s10 =	simm.s32 $0x2200;
	s9 =	simm.s32 $0x1A00  }
0x4: {  	s11 =	simm.s32 $0x2A00;
	s12 =	simm.s32 $0x2E00;
	s13 =	simm.s32 $0x3200  }
0x5: {  	s14 =	simm.s32 $0x3600;
	s15 =	simm.s32 $0x3A00;
	s16 =	simm.s32 $0x3E00  }
0x6: {  	s17 =	simm.s32 $0x4200;
	s18 =	simm.s32 $0x4600;
	s19 =	simm.s32 $0x4A00  }
0x7: {  	s20 =	simm.s32 $0x1;
	s5 =	sand.u32 $0x1, s1;
	s1 =	rddreg [dreg:$0x1]  }
0x8: {  	s21 =	simm.s32 $0x0;
	s3 =	sshll.u32 s0, $0x1;
	[smem:$0x7FF] =	sst s2  }
0x9: {  	s7 =	smul.u32 $0x3400, s0;
	s3 =	sor.u32 s5, s3;
	_ =	strace $0x80000047  }
0xa: {  	s8 =	ssub.s32 $0x2, s5;
	s5 =	smul.u32 $0x1A00, s5;
	[dreg:$0x2] =	wrdreg s31  }
0xb: {  	[dreg:$0x3] =	wrdreg s10;
	s10 =	simm.s32 $0x2600;
	s6 =	smul.u32 $0x1A00, s3  }
0xc: {  	s3 =	sadd.s32 $0x10600, s4;
	s7 =	sadd.s32 s7, s4;
	s29 =	sshrl.u32 s8, $0x1  }
0xd: {  	s8 =	ssub.s32 s8, s29;
	s30 =	sadd.s32 s5, s7;
	s6 =	sshrl.u32 s6, $0x3  }
0xe: {  	s7 =	simm.s32 $0x2;
	s5 =	smax.u32 s8, $0x1;
	s6 =	sadd.s32 s6, s4  }
0xf: {  	s8 =	simm.s32 $0x80;
	s4 =	sadd.s32 $0x9E00, s6;
	s6 =	sadd.s32 $0x31DA00, s30  }
.LBB2_1:
0x10: {  	[tilespmem:s2], [sflag:$0x2] =	stream.linear.gather [hbm4b:s4+s2], $0x1A00, $0x38;
	[tilespmem:$0x4E00] =	vst v63  }
0x11: {  	_ =	swait.ge [sflag:s7], $0x1A00  }
0x12: {  	[sflag:s7] =	ssyncset.done $0x0  }
0x13: {  	s22 =	simm.s32 $0x0;
	[sflag:s7] =	ssyncadd.s32 $0xFFFFE600  }
0x14: {  	[tilespmem:s9], [sflag:$0x1] =	stream.indirect.gather [hbm4b:s3+s8], $0x8, s22, s8, $0xb8;
	[tilespmem:$0x4E00] =	vst v63  }
0x15: {  	s28 =	simm.s32 $0x80;
	s23 =	rddreg [dreg:$0x2]  }
0x16: {  	[tilespmem:s23], [sflag:$0x1] =	stream.indirect.gather [hbm4b:s3+s8], $0x8, s28, s8, $0xb8;
	[tilespmem:$0x4E00] =	vst v63  }
0x17: {  	s29 =	simm.s32 $0x100;
	s24 =	rddreg [dreg:$0x3]  }
0x18: {  	[tilespmem:s24], [sflag:$0x1] =	stream.indirect.gather [hbm4b:s3+s8], $0x8, s29, s8, $0xb8;
	[tilespmem:$0x4E00] =	vst v63  }
0x19: {  	s30 =	simm.s32 $0x180  }
0x1a: {  	[tilespmem:s10], [sflag:$0x1] =	stream.indirect.gather [hbm4b:s3+s8], $0x8, s30, s8, $0xb8;
	[tilespmem:$0x4E00] =	vst v63  }
0x1b: {  	s31 =	simm.s32 $0x200  }
0x1c: {  	[tilespmem:s11], [sflag:$0x1] =	stream.indirect.gather [hbm4b:s3+s8], $0x8, s31, s8, $0xb8;
	[tilespmem:$0x4E00] =	vst v63  }
0x1d: {  	s23 =	simm.s32 $0x280  }
0x1e: {  	[tilespmem:s12], [sflag:$0x1] =	stream.indirect.gather [hbm4b:s3+s8], $0x8, s23, s8, $0xb8;
	[tilespmem:$0x4E00] =	vst v63  }
0x1f: {  	s24 =	simm.s32 $0x300  }
0x20: {  	[tilespmem:s13], [sflag:$0x1] =	stream.indirect.gather [hbm4b:s3+s8], $0x8, s24, s8, $0xb8;
	[tilespmem:$0x4E00] =	vst v63  }
0x21: {  	s25 =	simm.s32 $0x380  }
0x22: {  	[tilespmem:s14], [sflag:$0x1] =	stream.indirect.gather [hbm4b:s3+s8], $0x8, s25, s8, $0xb8;
	[tilespmem:$0x4E00] =	vst v63  }
0x23: {  	s26 =	simm.s32 $0x400  }
0x24: {  	[tilespmem:s15], [sflag:$0x1] =	stream.indirect.gather [hbm4b:s3+s8], $0x8, s26, s8, $0xb8;
	[tilespmem:$0x4E00] =	vst v63  }
0x25: {  	s28 =	simm.s32 $0x480  }
0x26: {  	[tilespmem:s16], [sflag:$0x1] =	stream.indirect.gather [hbm4b:s3+s8], $0x8, s28, s8, $0xb8;
	[tilespmem:$0x4E00] =	vst v63  }
0x27: {  	s29 =	simm.s32 $0x500  }
0x28: {  	[tilespmem:s17], [sflag:$0x1] =	stream.indirect.gather [hbm4b:s3+s8], $0x8, s29, s8, $0xb8;
	[tilespmem:$0x4E00] =	vst v63  }
0x29: {  	s30 =	simm.s32 $0x580  }
0x2a: {  	[tilespmem:s18], [sflag:$0x1] =	stream.indirect.gather [hbm4b:s3+s8], $0x8, s30, s8, $0xb8;
	[tilespmem:$0x4E00] =	vst v63  }
0x2b: {  	s31 =	simm.s32 $0x600  }
0x2c: {  	[tilespmem:s19], [sflag:$0x1] =	stream.indirect.gather [hbm4b:s3+s8], $0x8, s31, s8, $0xb8;
	[tilespmem:$0x4E00] =	vst v63  }
0x2d: {  	_ =	swait.ge [sflag:s20], $0x400  }
0x2e: {  	[sflag:s20] =	ssyncset.done $0x0  }
0x2f: {  	[sflag:s20] =	ssyncadd.s32 $0xFFFFFC00  }
0x30: {  	_ =	swait.ge [sflag:s20], $0x400  }
0x31: {  	[sflag:s20] =	ssyncset.done $0x0  }
0x32: {  	[sflag:s20] =	ssyncadd.s32 $0xFFFFFC00  }
0x33: {  	_ =	swait.ge [sflag:s20], $0x400  }
0x34: {  	[sflag:s20] =	ssyncset.done $0x0  }
0x35: {  	[sflag:s20] =	ssyncadd.s32 $0xFFFFFC00  }
0x36: {  	_ =	swait.ge [sflag:s20], $0x400  }
0x37: {  	[sflag:s20] =	ssyncset.done $0x0  }
0x38: {  	[sflag:s20] =	ssyncadd.s32 $0xFFFFFC00  }
0x39: {  	_ =	swait.ge [sflag:s20], $0x400  }
0x3a: {  	[sflag:s20] =	ssyncset.done $0x0  }
0x3b: {  	[sflag:s20] =	ssyncadd.s32 $0xFFFFFC00  }
0x3c: {  	_ =	swait.ge [sflag:s20], $0x400  }
0x3d: {  	[sflag:s20] =	ssyncset.done $0x0  }
0x3e: {  	[sflag:s20] =	ssyncadd.s32 $0xFFFFFC00  }
0x3f: {  	_ =	swait.ge [sflag:s20], $0x400  }
0x40: {  	[sflag:s20] =	ssyncset.done $0x0  }
0x41: {  	[sflag:s20] =	ssyncadd.s32 $0xFFFFFC00  }
0x42: {  	_ =	swait.ge [sflag:s20], $0x400  }
0x43: {  	[sflag:s20] =	ssyncset.done $0x0  }
0x44: {  	[sflag:s20] =	ssyncadd.s32 $0xFFFFFC00  }
0x45: {  	_ =	swait.ge [sflag:s20], $0x400  }
0x46: {  	[sflag:s20] =	ssyncset.done $0x0  }
0x47: {  	[sflag:s20] =	ssyncadd.s32 $0xFFFFFC00  }
0x48: {  	_ =	swait.ge [sflag:s20], $0x400  }
0x49: {  	[sflag:s20] =	ssyncset.done $0x0  }
0x4a: {  	[sflag:s20] =	ssyncadd.s32 $0xFFFFFC00  }
0x4b: {  	_ =	swait.ge [sflag:s20], $0x400  }
0x4c: {  	[sflag:s20] =	ssyncset.done $0x0  }
0x4d: {  	[sflag:s20] =	ssyncadd.s32 $0xFFFFFC00  }
0x4e: {  	_ =	swait.ge [sflag:s20], $0x400  }
0x4f: {  	[sflag:s20] =	ssyncset.done $0x0  }
0x50: {  	[sflag:s20] =	ssyncadd.s32 $0xFFFFFC00  }
0x51: {  	_ =	swait.ge [sflag:s20], $0x400  }
0x52: {  	[sflag:s20] =	ssyncset.done $0x0  }
0x53: {  	[sflag:s20] =	ssyncadd.s32 $0xFFFFFC00  }
0x54: {  	[hbm4b:s6+s2] =	stream.linear.scatter [tilespmem:s9], [sflag:$0x2], $0x3400, $0x38;
	[tilespmem:$0x4E00] =	vst v63  }
0x55: {  	s22 =	sadd.s32 $0x680, s6;
	_ =	swait.ge [sflag:s7], $0x3400  }
0x56: {  	s23 =	simm.s32 $0x1A00;
	s25 =	simm.s32 $0x3400;
	[sflag:s7] =	ssyncset.done $0x0  }
.LBB2_2:
0x57: {  	s26 =	sshra.s32 s23, $0x2;
	[sflag:s7] =	ssyncadd.s32 $0xFFFFCC00  }
0x58: {  	[tilespmem:s9], [sflag:$0x1] =	stream.indirect.gather [hbm4b:s3+s8], $0x8, s26, s8, $0xb8;
	[tilespmem:$0x4E00] =	vst v63  }
0x59: {  	s28 =	rddreg [dreg:$0x2];
	s29 =	sadd.s32 $0x80, s26  }
0x5a: {  	[tilespmem:s28], [sflag:$0x1] =	stream.indirect.gather [hbm4b:s3+s8], $0x8, s29, s8, $0xb8;
	[tilespmem:$0x4E00] =	vst v63  }
0x5b: {  	s30 =	rddreg [dreg:$0x3];
	s29 =	sadd.s32 $0x100, s26  }
0x5c: {  	[tilespmem:s30], [sflag:$0x1] =	stream.indirect.gather [hbm4b:s3+s8], $0x8, s29, s8, $0xb8;
	[tilespmem:$0x4E00] =	vst v63  }
0x5d: {  	s30 =	sadd.s32 $0x180, s26  }
0x5e: {  	[tilespmem:s10], [sflag:$0x1] =	stream.indirect.gather [hbm4b:s3+s8], $0x8, s30, s8, $0xb8;
	[tilespmem:$0x4E00] =	vst v63  }
0x5f: {  	s31 =	sadd.s32 $0x200, s26  }
0x60: {  	[tilespmem:s11], [sflag:$0x1] =	stream.indirect.gather [hbm4b:s3+s8], $0x8, s31, s8, $0xb8;
	[tilespmem:$0x4E00] =	vst v63  }
0x61: {  	s28 =	sadd.s32 $0x280, s26  }
0x62: {  	[tilespmem:s12], [sflag:$0x1] =	stream.indirect.gather [hbm4b:s3+s8], $0x8, s28, s8, $0xb8;
	[tilespmem:$0x4E00] =	vst v63  }
0x63: {  	s29 =	sadd.s32 $0x300, s26  }
0x64: {  	[tilespmem:s13], [sflag:$0x1] =	stream.indirect.gather [hbm4b:s3+s8], $0x8, s29, s8, $0xb8;
	[tilespmem:$0x4E00] =	vst v63  }
0x65: {  	s30 =	sadd.s32 $0x380, s26  }
0x66: {  	[tilespmem:s14], [sflag:$0x1] =	stream.indirect.gather [hbm4b:s3+s8], $0x8, s30, s8, $0xb8;
	[tilespmem:$0x4E00] =	vst v63  }
0x67: {  	s31 =	sadd.s32 $0x400, s26  }
0x68: {  	[tilespmem:s15], [sflag:$0x1] =	stream.indirect.gather [hbm4b:s3+s8], $0x8, s31, s8, $0xb8;
	[tilespmem:$0x4E00] =	vst v63  }
0x69: {  	s28 =	sadd.s32 $0x480, s26  }
0x6a: {  	[tilespmem:s16], [sflag:$0x1] =	stream.indirect.gather [hbm4b:s3+s8], $0x8, s28, s8, $0xb8;
	[tilespmem:$0x4E00] =	vst v63  }
0x6b: {  	s29 =	sadd.s32 $0x500, s26  }
0x6c: {  	[tilespmem:s17], [sflag:$0x1] =	stream.indirect.gather [hbm4b:s3+s8], $0x8, s29, s8, $0xb8;
	[tilespmem:$0x4E00] =	vst v63  }
0x6d: {  	s30 =	sadd.s32 $0x580, s26  }
0x6e: {  	[tilespmem:s18], [sflag:$0x1] =	stream.indirect.gather [hbm4b:s3+s8], $0x8, s30, s8, $0xb8;
	[tilespmem:$0x4E00] =	vst v63  }
0x6f: {  	s31 =	sadd.s32 $0x600, s26  }
0x70: {  	[tilespmem:s19], [sflag:$0x1] =	stream.indirect.gather [hbm4b:s3+s8], $0x8, s31, s8, $0xb8;
	[tilespmem:$0x4E00] =	vst v63  }
0x71: {  	_ =	swait.ge [sflag:s20], $0x400  }
0x72: {  	[sflag:s20] =	ssyncset.done $0x0  }
0x73: {  	[sflag:s20] =	ssyncadd.s32 $0xFFFFFC00  }
0x74: {  	_ =	swait.ge [sflag:s20], $0x400  }
0x75: {  	[sflag:s20] =	ssyncset.done $0x0  }
0x76: {  	[sflag:s20] =	ssyncadd.s32 $0xFFFFFC00  }
0x77: {  	_ =	swait.ge [sflag:s20], $0x400  }
0x78: {  	[sflag:s20] =	ssyncset.done $0x0  }
0x79: {  	[sflag:s20] =	ssyncadd.s32 $0xFFFFFC00  }
0x7a: {  	_ =	swait.ge [sflag:s20], $0x400  }
0x7b: {  	[sflag:s20] =	ssyncset.done $0x0  }
0x7c: {  	[sflag:s20] =	ssyncadd.s32 $0xFFFFFC00  }
0x7d: {  	_ =	swait.ge [sflag:s20], $0x400  }
0x7e: {  	[sflag:s20] =	ssyncset.done $0x0  }
0x7f: {  	[sflag:s20] =	ssyncadd.s32 $0xFFFFFC00  }
0x80: {  	_ =	swait.ge [sflag:s20], $0x400  }
0x81: {  	[sflag:s20] =	ssyncset.done $0x0  }
0x82: {  	[sflag:s20] =	ssyncadd.s32 $0xFFFFFC00  }
0x83: {  	_ =	swait.ge [sflag:s20], $0x400  }
0x84: {  	[sflag:s20] =	ssyncset.done $0x0  }
0x85: {  	[sflag:s20] =	ssyncadd.s32 $0xFFFFFC00  }
0x86: {  	_ =	swait.ge [sflag:s20], $0x400  }
0x87: {  	[sflag:s20] =	ssyncset.done $0x0  }
0x88: {  	[sflag:s20] =	ssyncadd.s32 $0xFFFFFC00  }
0x89: {  	_ =	swait.ge [sflag:s20], $0x400  }
0x8a: {  	[sflag:s20] =	ssyncset.done $0x0  }
0x8b: {  	[sflag:s20] =	ssyncadd.s32 $0xFFFFFC00  }
0x8c: {  	_ =	swait.ge [sflag:s20], $0x400  }
0x8d: {  	[sflag:s20] =	ssyncset.done $0x0  }
0x8e: {  	[sflag:s20] =	ssyncadd.s32 $0xFFFFFC00  }
0x8f: {  	_ =	swait.ge [sflag:s20], $0x400  }
0x90: {  	[sflag:s20] =	ssyncset.done $0x0  }
0x91: {  	[sflag:s20] =	ssyncadd.s32 $0xFFFFFC00  }
0x92: {  	_ =	swait.ge [sflag:s20], $0x400  }
0x93: {  	[sflag:s20] =	ssyncset.done $0x0  }
0x94: {  	[sflag:s20] =	ssyncadd.s32 $0xFFFFFC00  }
0x95: {  	p0 =	sne.s32 s25, $0x4E00;
	_ =	swait.ge [sflag:s20], $0x400  }
.Ltmp0:
0x96: {  	[sflag:s20] =	ssyncset.done $0x0;
	(pc) =	sbr.rel @p0 .LBB2_2-.Ltmp0, $4  }
0x97: {  	[sflag:s20] =	ssyncadd.s32 $0xFFFFFC00  }
0x98: {  	[hbm4b:s22+s2] =	stream.linear.scatter [tilespmem:s9], [sflag:$0x2], $0x3400, $0x38;
	[tilespmem:$0x4E00] =	vst v63  }
0x99: {  	s23 =	smov.u32 s25;
	s24 =	sadd.s32 $0x1A00, s25;
	_ =	swait.ge [sflag:s7], $0x3400  }
0x9a: {  	s25 =	smov.u32 s24;
	s22 =	sadd.s32 $0x680, s22;
	[sflag:s7] =	ssyncset.done $0x0  }
0x9b: {  	s23 =	sshra.s32 s23, $0x2;
	[sflag:s7] =	ssyncadd.s32 $0xFFFFCC00  }
0x9c: {  	[tilespmem:s9], [sflag:$0x1] =	stream.indirect.gather [hbm4b:s3+s8], $0x8, s23, s8, $0xb8;
	[tilespmem:$0x4E00] =	vst v63  }
0x9d: {  	s24 =	rddreg [dreg:$0x2];
	s25 =	sadd.s32 $0x80, s23  }
0x9e: {  	[tilespmem:s24], [sflag:$0x1] =	stream.indirect.gather [hbm4b:s3+s8], $0x8, s25, s8, $0xb8;
	[tilespmem:$0x4E00] =	vst v63  }
0x9f: {  	s26 =	rddreg [dreg:$0x3];
	s28 =	sadd.s32 $0x100, s23  }
0xa0: {  	[tilespmem:s26], [sflag:$0x1] =	stream.indirect.gather [hbm4b:s3+s8], $0x8, s28, s8, $0xb8;
	[tilespmem:$0x4E00] =	vst v63  }
0xa1: {  	s29 =	sadd.s32 $0x180, s23  }
0xa2: {  	[tilespmem:s10], [sflag:$0x1] =	stream.indirect.gather [hbm4b:s3+s8], $0x8, s29, s8, $0xb8;
	[tilespmem:$0x4E00] =	vst v63  }
0xa3: {  	s30 =	sadd.s32 $0x200, s23  }
0xa4: {  	[tilespmem:s11], [sflag:$0x1] =	stream.indirect.gather [hbm4b:s3+s8], $0x8, s30, s8, $0xb8;
	[tilespmem:$0x4E00] =	vst v63  }
0xa5: {  	s31 =	sadd.s32 $0x280, s23  }
0xa6: {  	[tilespmem:s12], [sflag:$0x1] =	stream.indirect.gather [hbm4b:s3+s8], $0x8, s31, s8, $0xb8;
	[tilespmem:$0x4E00] =	vst v63  }
0xa7: {  	s25 =	sadd.s32 $0x300, s23  }
0xa8: {  	[tilespmem:s13], [sflag:$0x1] =	stream.indirect.gather [hbm4b:s3+s8], $0x8, s25, s8, $0xb8;
	[tilespmem:$0x4E00] =	vst v63  }
0xa9: {  	s26 =	sadd.s32 $0x380, s23  }
0xaa: {  	[tilespmem:s14], [sflag:$0x1] =	stream.indirect.gather [hbm4b:s3+s8], $0x8, s26, s8, $0xb8;
	[tilespmem:$0x4E00] =	vst v63  }
0xab: {  	s28 =	sadd.s32 $0x400, s23  }
0xac: {  	[tilespmem:s15], [sflag:$0x1] =	stream.indirect.gather [hbm4b:s3+s8], $0x8, s28, s8, $0xb8;
	[tilespmem:$0x4E00] =	vst v63  }
0xad: {  	s29 =	sadd.s32 $0x480, s23  }
0xae: {  	[tilespmem:s16], [sflag:$0x1] =	stream.indirect.gather [hbm4b:s3+s8], $0x8, s29, s8, $0xb8;
	[tilespmem:$0x4E00] =	vst v63  }
0xaf: {  	s30 =	sadd.s32 $0x500, s23  }
0xb0: {  	[tilespmem:s17], [sflag:$0x1] =	stream.indirect.gather [hbm4b:s3+s8], $0x8, s30, s8, $0xb8;
	[tilespmem:$0x4E00] =	vst v63  }
0xb1: {  	s31 =	sadd.s32 $0x580, s23  }
0xb2: {  	[tilespmem:s18], [sflag:$0x1] =	stream.indirect.gather [hbm4b:s3+s8], $0x8, s31, s8, $0xb8;
	[tilespmem:$0x4E00] =	vst v63  }
0xb3: {  	s23 =	sadd.s32 $0x600, s23  }
0xb4: {  	[tilespmem:s19], [sflag:$0x1] =	stream.indirect.gather [hbm4b:s3+s8], $0x8, s23, s8, $0xb8;
	[tilespmem:$0x4E00] =	vst v63  }
0xb5: {  	_ =	swait.ge [sflag:s20], $0x400  }
0xb6: {  	[sflag:s20] =	ssyncset.done $0x0  }
0xb7: {  	[sflag:s20] =	ssyncadd.s32 $0xFFFFFC00  }
0xb8: {  	_ =	swait.ge [sflag:s20], $0x400  }
0xb9: {  	[sflag:s20] =	ssyncset.done $0x0  }
0xba: {  	[sflag:s20] =	ssyncadd.s32 $0xFFFFFC00  }
0xbb: {  	_ =	swait.ge [sflag:s20], $0x400  }
0xbc: {  	[sflag:s20] =	ssyncset.done $0x0  }
0xbd: {  	[sflag:s20] =	ssyncadd.s32 $0xFFFFFC00  }
0xbe: {  	_ =	swait.ge [sflag:s20], $0x400  }
0xbf: {  	[sflag:s20] =	ssyncset.done $0x0  }
0xc0: {  	[sflag:s20] =	ssyncadd.s32 $0xFFFFFC00  }
0xc1: {  	_ =	swait.ge [sflag:s20], $0x400  }
0xc2: {  	[sflag:s20] =	ssyncset.done $0x0  }
0xc3: {  	[sflag:s20] =	ssyncadd.s32 $0xFFFFFC00  }
0xc4: {  	_ =	swait.ge [sflag:s20], $0x400  }
0xc5: {  	[sflag:s20] =	ssyncset.done $0x0  }
0xc6: {  	[sflag:s20] =	ssyncadd.s32 $0xFFFFFC00  }
0xc7: {  	_ =	swait.ge [sflag:s20], $0x400  }
0xc8: {  	[sflag:s20] =	ssyncset.done $0x0  }
0xc9: {  	[sflag:s20] =	ssyncadd.s32 $0xFFFFFC00  }
0xca: {  	_ =	swait.ge [sflag:s20], $0x400  }
0xcb: {  	[sflag:s20] =	ssyncset.done $0x0  }
0xcc: {  	[sflag:s20] =	ssyncadd.s32 $0xFFFFFC00  }
0xcd: {  	_ =	swait.ge [sflag:s20], $0x400  }
0xce: {  	[sflag:s20] =	ssyncset.done $0x0  }
0xcf: {  	[sflag:s20] =	ssyncadd.s32 $0xFFFFFC00  }
0xd0: {  	_ =	swait.ge [sflag:s20], $0x400  }
0xd1: {  	[sflag:s20] =	ssyncset.done $0x0  }
0xd2: {  	[sflag:s20] =	ssyncadd.s32 $0xFFFFFC00  }
0xd3: {  	_ =	swait.ge [sflag:s20], $0x400  }
0xd4: {  	[sflag:s20] =	ssyncset.done $0x0  }
0xd5: {  	[sflag:s20] =	ssyncadd.s32 $0xFFFFFC00  }
0xd6: {  	_ =	swait.ge [sflag:s20], $0x400  }
0xd7: {  	[sflag:s20] =	ssyncset.done $0x0  }
0xd8: {  	[sflag:s20] =	ssyncadd.s32 $0xFFFFFC00  }
0xd9: {  	s21 =	sadd.s32 $0x1, s21;
	_ =	swait.ge [sflag:s20], $0x400  }
0xda: {  	p0 =	sne.s32 s21, s5;
	[sflag:s20] =	ssyncset.done $0x0  }
.Ltmp1:
0xdb: {  	[sflag:s20] =	ssyncadd.s32 $0xFFFFFC00;
	(pc) =	sbr.rel @p0 .LBB2_1-.Ltmp1, $4  }
0xdc: {  	[hbm4b:s22+s2] =	stream.linear.scatter [tilespmem:s9], [sflag:$0x2], $0x3400, $0x38;
	[tilespmem:$0x4E00] =	vst v63  }
0xdd: {  	_ =	swait.ge [sflag:s7], $0x3400  }
0xde: {  	[sflag:s7] =	ssyncset.done $0x0  }
0xdf: {  	[sflag:s7] =	ssyncadd.s32 $0xFFFFCC00  }
0xe0: {  	_ =	sfence.sel $0x180000  }
0xe1: {  	[bflag:$0x0] =	sbarrier.arrive $0xFFFF  }
0xe2: {  	p0 =	sne.s32 s0, $0x0;
	_ =	strace $0x90000047  }
0xe3: {  	s0 =	sadd.s32 @!p0 $0x100000, s1;
	[bflag:$0x2] =	sbarrier.arrive $0xFFFF  }
0xe4: {  	[sflag:s0] =	ssyncadd.tile.s32 @!p0 $0x1;
	_ =	shalt  }
.Lfunc_end2:
_tile_overlayer_lowered:
.L_overlay_start_2:
0xe5: {  	(tag) =	ssettag $0x2  }
0xe6: {  	s0 =	rddreg [dreg:$0x0];
	s2 =	stileid.u32  }
0xe7: {  	s1 =	rddreg [dreg:$0x1];
	p0 =	sne.s32 s2, $0x0  }
0xe8: {  	s3 =	rddreg [dreg:$0x2];
	[bflag:$0x3] =	sbarrier.arrive $0xFFFF;
	s2 =	simm.s32 @!p0 $0x1C02  }
0xe9: {  	[timem:s3], [sflag:s2] =	dma.local @!p0 [hbm:s0], s1  }
0xea: {  	s0 =	simm.s32 @!p0 $0x2  }
0xeb: {  	_ =	swait.ge @!p0 [sflag:s0], s1  }
0xec: {  	s1 =	ssub.s32 @!p0 $0x0, s1;
	[sflag:s0] =	ssyncset.done @!p0 $0x0  }
0xed: {  	[sflag:s0] =	ssyncadd.s32 @!p0 s1  }
0xee: {  	[bflag:$0x3] =	sbarrier.arrive $0xFFFF  }
0xef: {  	_ =	shalt  }

</sc_bundles>
